<compile_context>
chip_gen: v7x
topology: tpu7x:2x2x1
jax: 0.10.2.dev20260603
libtpu: 0.0.44.dev20260713+nightly
codegen_flags: <defaults>
</compile_context>

<pallas_src>
import functools

import jax
import jax.numpy as jnp
from jax import lax
from jax.experimental import pallas as pl
from jax.experimental.pallas import tpu as pltpu
from jax.experimental.pallas import tpu_sc as plsc

N = 10000
E = 320000
D = 128
H = 128

NC = 2
NS = 16
NW = NC * NS
CH = 128
CHUNKS_PER_W = -(-E // (NW * CH))
EW = CHUNKS_PER_W * CH
EPAD = EW * NW
RA = 632
NPAD = RA * NS
ZOFF = (0, 128, 256, 384, 504)


def _seg_sum_sc():
    mesh = plsc.VectorSubcoreMesh(core_axis_name="c", subcore_axis_name="s")
    out_type = [jax.ShapeDtypeStruct((NC, NPAD, H), jnp.float32),
                jax.ShapeDtypeStruct((NC, NPAD, H), jnp.float32)]
    scratch = [
        pltpu.VMEM((CH,), jnp.int32),
        pltpu.VMEM((1, CH), jnp.int32),
        pltpu.VMEM((CH, H), jnp.float32),
        pltpu.VMEM_SHARED((NPAD, H), jnp.float32),
        pltpu.SemaphoreType.DMA,
    ]

    @functools.partial(pl.kernel, mesh=mesh, out_type=out_type,
                       scratch_types=scratch)
    def seg_kernel(tab_hbm, src_hbm, dst_hbm, dep_hbm, before_hbm, after_hbm,
                   src_v, dst_v, rows_v, acc_sh, sem):
        del dep_hbm
        cid = lax.axis_index("c")
        sid = lax.axis_index("s")
        wid = sid * NC + cid
        row0 = pl.multiple_of(sid * RA, 8)

        pltpu.sync_copy(acc_sh.at[pl.ds(row0, RA)],
                        before_hbm.at[cid, pl.ds(row0, RA)])

        plsc.subcore_barrier()

        base0 = wid * EW

        @pl.loop(0, CHUNKS_PER_W)
        def _(i):
            base = base0 + i * CH
            pltpu.sync_copy(src_hbm.at[pl.ds(base, CH)], src_v)
            pltpu.sync_copy(dst_hbm.at[pl.ds(base, CH)], dst_v.at[0])
            pltpu.async_copy(tab_hbm.at[src_v], rows_v, sem).wait()
            pltpu.sync_copy(rows_v, acc_sh.at[dst_v.at[0]], add=True)

        plsc.subcore_barrier()

        pltpu.sync_copy(acc_sh.at[pl.ds(row0, RA)],
                        after_hbm.at[cid, pl.ds(row0, RA)])

    return seg_kernel


def _cnt_sc():
    mesh = plsc.VectorSubcoreMesh(core_axis_name="c", subcore_axis_name="s")
    out_type = [jax.ShapeDtypeStruct((NC, NPAD, 16), jnp.float32),
                jax.ShapeDtypeStruct((NC, NPAD, 16), jnp.float32)]
    scratch = [
        pltpu.VMEM((1, CH), jnp.int32),
        pltpu.VMEM((CH, 16), jnp.float32),
        pltpu.VMEM_SHARED((NPAD, 16), jnp.float32),
    ]

    @functools.partial(pl.kernel, mesh=mesh, out_type=out_type,
                       scratch_types=scratch)
    def cnt_kernel(dst_hbm, ones_hbm, before_hbm, after_hbm,
                   dst_v, ones_v, cnt_sh):
        cid = lax.axis_index("c")
        sid = lax.axis_index("s")
        wid = sid * NC + cid
        row0 = pl.multiple_of(sid * RA, 8)

        pltpu.sync_copy(ones_hbm, ones_v)
        pltpu.sync_copy(cnt_sh.at[pl.ds(row0, RA)],
                        before_hbm.at[cid, pl.ds(row0, RA)])

        plsc.subcore_barrier()

        base0 = wid * EW

        @pl.loop(0, CHUNKS_PER_W)
        def _(i):
            base = base0 + i * CH
            pltpu.sync_copy(dst_hbm.at[pl.ds(base, CH)], dst_v.at[0])
            pltpu.sync_copy(ones_v, cnt_sh.at[dst_v.at[0]], add=True)

        plsc.subcore_barrier()

        pltpu.sync_copy(cnt_sh.at[pl.ds(row0, RA)],
                        after_hbm.at[cid, pl.ds(row0, RA)])

    return cnt_kernel


@functools.cache
def _seg_sum_sc_cached():
    return _seg_sum_sc()


@functools.cache
def _cnt_sc_cached():
    return _cnt_sc()



DIFF_BLK = 1264


def _diff_body(sa_ref, sb_ref, o_ref):
    o_ref[...] = (sa_ref[0] - sb_ref[0]) + (sa_ref[1] - sb_ref[1])


def _tc_diff(sa, sb, width):
    spec = pl.BlockSpec((NC, DIFF_BLK, width), lambda i: (0, i, 0))
    return pl.pallas_call(
        _diff_body,
        grid=(NPAD // DIFF_BLK,),
        in_specs=[spec, spec],
        out_specs=pl.BlockSpec((DIFF_BLK, width), lambda i: (i, 0)),
        out_shape=jax.ShapeDtypeStruct((NPAD, width), jnp.float32),
    )(sa, sb)

def _proj_body(x_ref, wl_ref, wr_ref, p_ref, q_ref):
    xv = x_ref[...]
    p_ref[...] = jnp.dot(xv, wl_ref[...], preferred_element_type=jnp.float32)
    q_ref[...] = jnp.dot(xv, wr_ref[...], preferred_element_type=jnp.float32)


def _tc_proj(x, wl, wr):
    return pl.pallas_call(
        _proj_body,
        out_shape=[jax.ShapeDtypeStruct((N, H), jnp.float32),
                   jax.ShapeDtypeStruct((N, H), jnp.float32)],
    )(x, wl, wr)


def _combine1_body(s_ref, c_ref, q_ref, b_ref, g_ref,
                   be_ref, wl_ref, wr_ref, p2_ref, q2_ref, inv_ref):
    cnt = c_ref[:, 0:1]
    inv = 1.0 / jnp.maximum(cnt, 1.0)
    h = s_ref[...] * inv + q_ref[...] + b_ref[...]
    mu = jnp.mean(h, axis=0, keepdims=True)
    var = jnp.mean((h - mu) ** 2, axis=0, keepdims=True)
    h = (h - mu) / jnp.sqrt(var + 1e-5) * g_ref[...] + be_ref[...]
    h = jnp.maximum(h, 0.0)
    p2_ref[...] = jnp.dot(h, wl_ref[...], preferred_element_type=jnp.float32)
    q2_ref[...] = jnp.dot(h, wr_ref[...], preferred_element_type=jnp.float32)
    inv_ref[...] = inv


def _tc_combine1(s, c, q, b, g, be, wl, wr):
    return pl.pallas_call(
        _combine1_body,
        out_shape=[jax.ShapeDtypeStruct((N, H), jnp.float32),
                   jax.ShapeDtypeStruct((N, H), jnp.float32),
                   jax.ShapeDtypeStruct((N, 1), jnp.float32)],
    )(s, c, q, b, g, be, wl, wr)


def _combine2_body(s_ref, inv_ref, q_ref, b_ref, g_ref, be_ref,
                   wl_ref, wr_ref, p3_ref, q3_ref):
    inv = inv_ref[...]
    h = s_ref[...] * inv + q_ref[...] + b_ref[...]
    mu = jnp.mean(h, axis=0, keepdims=True)
    var = jnp.mean((h - mu) ** 2, axis=0, keepdims=True)
    h = (h - mu) / jnp.sqrt(var + 1e-5) * g_ref[...] + be_ref[...]
    h = jnp.maximum(h, 0.0)
    p3 = jnp.dot(h, wl_ref[...], preferred_element_type=jnp.float32)
    p3_ref[...] = jnp.broadcast_to(p3, (N, H))
    q3_ref[...] = jnp.dot(h, wr_ref[...], preferred_element_type=jnp.float32)


def _tc_combine2(s, inv, q, b, g, be, wl, wr):
    return pl.pallas_call(
        _combine2_body,
        out_shape=[jax.ShapeDtypeStruct((N, H), jnp.float32),
                   jax.ShapeDtypeStruct((N, 1), jnp.float32)],
    )(s, inv, q, b, g, be, wl, wr)


def _final_body(s_ref, inv_ref, q_ref, b_ref, out_ref):
    out_ref[...] = s_ref[:, 0:1] * inv_ref[...] + q_ref[...] + b_ref[...]


def _tc_final(s, inv, q, b):
    return pl.pallas_call(
        _final_body,
        out_shape=jax.ShapeDtypeStruct((N, 1), jnp.float32),
    )(s, inv, q, b)


def kernel(x, edge_index, Wl1, Wr1, b1, g1, be1, Wl2, Wr2, b2, g2, be2,
           Wl3, Wr3, b3):
    src = edge_index[0]
    dst = edge_index[1]
    pad = EPAD - E
    src_p = jnp.concatenate([src, jnp.zeros((pad,), jnp.int32)])
    dst_p = jnp.concatenate([dst, jnp.full((pad,), N, jnp.int32)])

    zeros_pad = jnp.zeros((NPAD, H), jnp.float32)
    zeros16 = jnp.zeros((NPAD, 16), jnp.float32)
    ones_ch = jnp.ones((CH, 16), jnp.float32)
    rid = jnp.arange(NPAD, dtype=jnp.int32)

    b1r = b1.reshape(1, H)
    g1r = g1.reshape(1, H)
    be1r = be1.reshape(1, H)
    b2r = b2.reshape(1, H)
    g2r = g2.reshape(1, H)
    be2r = be2.reshape(1, H)
    b3r = b3.reshape(1, 1)

    cb, ca = _cnt_sc_cached()(dst_p, ones_ch)
    c = _tc_diff(ca, cb, 16)
    p1, q1 = _tc_proj(x, Wl1, Wr1)
    sb1, sa1 = _seg_sum_sc_cached()(p1, src_p, dst_p, ca[:, :1, :1])
    s1 = _tc_diff(sa1, sb1, H)
    p2, q2, inv = _tc_combine1(s1[:N], c[:N], q1, b1r, g1r, be1r, Wl2, Wr2)
    sb2, sa2 = _seg_sum_sc_cached()(p2, src_p, dst_p, sa1[:, :1, :1])
    s2 = _tc_diff(sa2, sb2, H)
    p3, q3 = _tc_combine2(s2[:N], inv, q2, b2r, g2r, be2r, Wl3, Wr3)
    sb3, sa3 = _seg_sum_sc_cached()(p3, src_p, dst_p, sa2[:, :1, :1])
    s3 = _tc_diff(sa3, sb3, H)
    out = _tc_final(s3[:N], inv, q3, b3r)
    return out.reshape(N)

# --- scband reference (transcript-rebuilt; emitter-appended) ---
"""Pipeline reference for scband-fraud-gnn-42631845380681 (READ-ONLY COPY).

The authoritative reference and input builder live on the scoring server;
editing this copy changes nothing except your own understanding.
"""

import jax, jax.numpy as jnp
import numpy as np

N = 10000
E = 320000
D = 128
H = 128


def setup_inputs(seed: int = 0) -> dict:
    key = jax.random.key(seed)
    ks = jax.random.split(key, 16)
    x = jax.random.normal(ks[0], (N, D), dtype=jnp.float32)
    edge_index = jax.random.randint(ks[1], (2, E), 0, N, dtype=jnp.int32)
    s = 1.0 / np.sqrt(D)
    inp = {
        'x': x,
        'edge_index': edge_index,
        'Wl1': jax.random.normal(ks[2], (D, H), dtype=jnp.float32) * s,
        'Wr1': jax.random.normal(ks[3], (D, H), dtype=jnp.float32) * s,
        'b1': jnp.zeros((H,), jnp.float32),
        'g1': jnp.ones((H,), jnp.float32),
        'be1': jnp.zeros((H,), jnp.float32),
        'Wl2': jax.random.normal(ks[4], (H, H), dtype=jnp.float32) * s,
        'Wr2': jax.random.normal(ks[5], (H, H), dtype=jnp.float32) * s,
        'b2': jnp.zeros((H,), jnp.float32),
        'g2': jnp.ones((H,), jnp.float32),
        'be2': jnp.zeros((H,), jnp.float32),
        'Wl3': jax.random.normal(ks[6], (H, 1), dtype=jnp.float32) * s,
        'Wr3': jax.random.normal(ks[7], (H, 1), dtype=jnp.float32) * s,
        'b3': jnp.zeros((1,), jnp.float32),
    }
    return inp


def _sage(x, src, dst, Wl, Wr, b):
    msgs = jnp.take(x, src, axis=0)
    ssum = jax.ops.segment_sum(msgs, dst, num_segments=N)
    cnt = jax.ops.segment_sum(jnp.ones((src.shape[0],), jnp.float32), dst, num_segments=N)
    mean = ssum / jnp.clip(cnt, 1.0, None)[:, None]
    return mean @ Wl + x @ Wr + b


def _bn(h, g, b, eps=1e-5):
    mu = jnp.mean(h, axis=0, keepdims=True)
    var = jnp.var(h, axis=0, keepdims=True)
    return (h - mu) / jnp.sqrt(var + eps) * g + b


def reference(x, edge_index, Wl1, Wr1, b1, g1, be1, Wl2, Wr2, b2, g2, be2, Wl3, Wr3, b3):
    src = edge_index[0]
    dst = edge_index[1]
    h = _sage(x, src, dst, Wl1, Wr1, b1)
    h = _bn(h, g1, be1)
    h = jax.nn.relu(h)
    h = _sage(h, src, dst, Wl2, Wr2, b2)
    h = _bn(h, g2, be2)
    h = jax.nn.relu(h)
    h = _sage(h, src, dst, Wl3, Wr3, b3)
    return h.squeeze(-1)

if __name__ == "__main__":
    import jax
    _d = setup_inputs()
    print(jax.jit(kernel)(*tuple(_d.values())))

</pallas_src>

<mosaic_0001>
#map = affine_map<(d0, d1) -> (0)>
#map1 = affine_map<(d0, d1) -> (0, 0)>
#map2 = affine_map<(d0, d1) -> (0, 0, 0)>
module attributes {stable_mosaic.version = 14 : i64} {
  func.func @cnt_kernel(%arg0: i32, %arg1: i32, %arg2: memref<323584xi32, #tpu.memory_space<hbm>>, %arg3: memref<128x16xf32, #tpu.memory_space<hbm>>, %arg4: memref<2x10112x16xf32, #tpu.memory_space<hbm>>, %arg5: memref<2x10112x16xf32, #tpu.memory_space<hbm>>, %arg6: memref<1x128xi32, #tpu.memory_space<vmem>>, %arg7: memref<128x16xf32, #tpu.memory_space<vmem>>, %arg8: memref<10112x16xf32, #tpu.memory_space<vmem_shared>>) attributes {dimension_semantics = [#tpu.dimension_semantics<core_parallel>, #tpu.dimension_semantics<subcore_parallel>], iteration_bounds = array<i64: 2, 16>, scalar_prefetch = 0 : i64, scratch_operands = 3 : i64, tpu.core_type = #tpu.core_type<sc_vector_subcore>, window_params = [{transform_indices = #map}, {transform_indices = #map1}, {transform_indices = #map2}, {transform_indices = #map2}]} {
    %mul3A = arith.constant 2 : i32
    %mul3A_0 = arith.muli %arg1, %mul3A : i32
    %add3A = arith.addi %mul3A_0, %arg0 : i32
    %mul3A_1 = arith.constant 632 : i32
    %mul3A_2 = arith.muli %arg1, %mul3A_1 : i32
    %multiple_of3A = tpu.assume_multiple %mul3A_2, 8 : i32
    "tpu.region"() ({
      %run_scoped3A = tpu.sem_alloc : memref<!tpu.dma_semaphore, #tpu.memory_space<semaphore_mem>>
      tpu.enqueue_dma source(%arg3 : memref<128x16xf32, #tpu.memory_space<hbm>>) target(%arg7 : memref<128x16xf32, #tpu.memory_space<vmem>>) target_semaphore(%run_scoped3A : memref<!tpu.dma_semaphore, #tpu.memory_space<semaphore_mem>>)
      tpu.wait_dma2 semaphore(%run_scoped3A : memref<!tpu.dma_semaphore, #tpu.memory_space<semaphore_mem>>) src(%arg3 : memref<128x16xf32, #tpu.memory_space<hbm>>) dst(%arg7 : memref<128x16xf32, #tpu.memory_space<vmem>>)
      tpu.yield
    }) : () -> ()
    "tpu.region"() ({
      %run_scoped3A = tpu.sem_alloc : memref<!tpu.dma_semaphore, #tpu.memory_space<semaphore_mem>>
      %dma_start3A = arith.constant 0 : i32
      %dma_start3A_10 = tpu.memref_slice %arg4[%arg0, %multiple_of3A, %dma_start3A] : memref<2x10112x16xf32, #tpu.memory_space<hbm>> -> memref<1x632x16xf32, #tpu.memory_space<hbm>>
      %dma_start3A_11 = tpu.memref_squeeze %dma_start3A_10 : memref<1x632x16xf32, #tpu.memory_space<hbm>> -> memref<632x16xf32, #tpu.memory_space<hbm>>
      %dma_start3A_12 = arith.constant 0 : i32
      %dma_start3A_13 = tpu.memref_slice %arg8[%multiple_of3A, %dma_start3A_12] : memref<10112x16xf32, #tpu.memory_space<vmem_shared>> -> memref<632x16xf32, #tpu.memory_space<vmem_shared>>
      tpu.enqueue_dma source(%dma_start3A_13 : memref<632x16xf32, #tpu.memory_space<vmem_shared>>) target(%dma_start3A_11 : memref<632x16xf32, #tpu.memory_space<hbm>>) target_semaphore(%run_scoped3A : memref<!tpu.dma_semaphore, #tpu.memory_space<semaphore_mem>>)
      %dma_wait3A = arith.constant 0 : i32
      %dma_wait3A_14 = tpu.memref_slice %arg4[%arg0, %multiple_of3A, %dma_wait3A] : memref<2x10112x16xf32, #tpu.memory_space<hbm>> -> memref<1x632x16xf32, #tpu.memory_space<hbm>>
      %dma_wait3A_15 = tpu.memref_squeeze %dma_wait3A_14 : memref<1x632x16xf32, #tpu.memory_space<hbm>> -> memref<632x16xf32, #tpu.memory_space<hbm>>
      %dma_wait3A_16 = arith.constant 0 : i32
      %dma_wait3A_17 = tpu.memref_slice %arg8[%multiple_of3A, %dma_wait3A_16] : memref<10112x16xf32, #tpu.memory_space<vmem_shared>> -> memref<632x16xf32, #tpu.memory_space<vmem_shared>>
      tpu.wait_dma2 semaphore(%run_scoped3A : memref<!tpu.dma_semaphore, #tpu.memory_space<semaphore_mem>>) src(%dma_wait3A_17 : memref<632x16xf32, #tpu.memory_space<vmem_shared>>) dst(%dma_wait3A_15 : memref<632x16xf32, #tpu.memory_space<hbm>>)
      tpu.yield
    }) : () -> ()
    %barrier3A = arith.constant 0 : index
    tpu.barrier barrier_id(%barrier3A)
    %mul3A_3 = arith.constant 10112 : i32
    %mul3A_4 = arith.muli %add3A, %mul3A_3 : i32
    %scan3A = arith.constant 0 : i32
    %scan3A_5 = arith.constant 79 : i32
    %scan3A_6 = arith.addi %scan3A, %scan3A_5 : i32
    %scan3A_7 = arith.constant 1 : i32
    scf.for %scan3A_10 = %scan3A to %scan3A_6 step %scan3A_7  : i32 {
      %mul3A_11 = arith.constant 1 : i32
      %mul3A_12 = arith.muli %scan3A_10, %mul3A_11 : i32
      %add3A_13 = arith.constant 0 : i32
      %add3A_14 = arith.addi %add3A_13, %mul3A_12 : i32
      %mul3A_15 = arith.constant 128 : i32
      %mul3A_16 = arith.muli %add3A_14, %mul3A_15 : i32
      %add3A_17 = arith.addi %mul3A_4, %mul3A_16 : i32
      %run_scoped3A = arith.constant 0 : i32
      "tpu.region"() ({
        %run_scoped3A_19 = tpu.sem_alloc : memref<!tpu.dma_semaphore, #tpu.memory_space<semaphore_mem>>
        %dma_start3A = arith.constant 0 : i32
        %dma_start3A_20 = tpu.memref_slice %arg6[%run_scoped3A, %dma_start3A] : memref<1x128xi32, #tpu.memory_space<vmem>> -> memref<1x128xi32, #tpu.memory_space<vmem>>
        %dma_start3A_21 = tpu.memref_squeeze %dma_start3A_20 : memref<1x128xi32, #tpu.memory_space<vmem>> -> memref<128xi32, #tpu.memory_space<vmem>>
        %dma_start3A_22 = tpu.memref_slice %arg2[%add3A_17] : memref<323584xi32, #tpu.memory_space<hbm>> -> memref<128xi32, #tpu.memory_space<hbm>>
        %dma_start3A_23 = arith.constant 0 : i32
        %dma_start3A_24 = tpu.memref_slice %arg6[%run_scoped3A, %dma_start3A_23] : memref<1x128xi32, #tpu.memory_space<vmem>> -> memref<1x128xi32, #tpu.memory_space<vmem>>
        %dma_start3A_25 = tpu.memref_squeeze %dma_start3A_24 : memref<1x128xi32, #tpu.memory_space<vmem>> -> memref<128xi32, #tpu.memory_space<vmem>>
        %dma_start3A_26 = tpu.memref_slice %arg2[%add3A_17] : memref<323584xi32, #tpu.memory_space<hbm>> -> memref<128xi32, #tpu.memory_space<hbm>>
        tpu.enqueue_dma source(%dma_start3A_26 : memref<128xi32, #tpu.memory_space<hbm>>) target(%dma_start3A_25 : memref<128xi32, #tpu.memory_space<vmem>>) target_semaphore(%run_scoped3A_19 : memref<!tpu.dma_semaphore, #tpu.memory_space<semaphore_mem>>)
        %dma_wait3A = arith.constant 0 : i32
        %dma_wait3A_27 = tpu.memref_slice %arg6[%run_scoped3A, %dma_wait3A] : memref<1x128xi32, #tpu.memory_space<vmem>> -> memref<1x128xi32, #tpu.memory_space<vmem>>
        %dma_wait3A_28 = tpu.memref_squeeze %dma_wait3A_27 : memref<1x128xi32, #tpu.memory_space<vmem>> -> memref<128xi32, #tpu.memory_space<vmem>>
        %dma_wait3A_29 = tpu.memref_slice %arg2[%add3A_17] : memref<323584xi32, #tpu.memory_space<hbm>> -> memref<128xi32, #tpu.memory_space<hbm>>
        %dma_wait3A_30 = arith.constant 0 : i32
        %dma_wait3A_31 = tpu.memref_slice %arg6[%run_scoped3A, %dma_wait3A_30] : memref<1x128xi32, #tpu.memory_space<vmem>> -> memref<1x128xi32, #tpu.memory_space<vmem>>
        %dma_wait3A_32 = tpu.memref_squeeze %dma_wait3A_31 : memref<1x128xi32, #tpu.memory_space<vmem>> -> memref<128xi32, #tpu.memory_space<vmem>>
        %dma_wait3A_33 = tpu.memref_slice %arg2[%add3A_17] : memref<323584xi32, #tpu.memory_space<hbm>> -> memref<128xi32, #tpu.memory_space<hbm>>
        tpu.wait_dma2 semaphore(%run_scoped3A_19 : memref<!tpu.dma_semaphore, #tpu.memory_space<semaphore_mem>>) src(%dma_wait3A_33 : memref<128xi32, #tpu.memory_space<hbm>>) dst(%dma_wait3A_32 : memref<128xi32, #tpu.memory_space<vmem>>)
        tpu.yield
      }) : () -> ()
      %run_scoped3A_18 = arith.constant 0 : i32
      "tpu.region"() ({
        %run_scoped3A_19 = tpu.sem_alloc : memref<!tpu.dma_semaphore, #tpu.memory_space<semaphore_mem>>
        %dma_start3A = arith.constant 0 : i32
        %dma_start3A_20 = tpu.memref_slice %arg6[%run_scoped3A_18, %dma_start3A] : memref<1x128xi32, #tpu.memory_space<vmem>> -> memref<1x128xi32, #tpu.memory_space<vmem>>
        %dma_start3A_21 = tpu.memref_squeeze %dma_start3A_20 : memref<1x128xi32, #tpu.memory_space<vmem>> -> memref<128xi32, #tpu.memory_space<vmem>>
        %dma_start3A_22 = arith.constant 0 : i32
        %dma_start3A_23 = arith.constant 0 : i32
        %dma_start3A_24 = tpu.memref_slice %arg8[%dma_start3A_22, %dma_start3A_23] : memref<10112x16xf32, #tpu.memory_space<vmem_shared>> -> memref<10112x16xf32, #tpu.memory_space<vmem_shared>>
        tpu.enqueue_indirect_dma source(%arg7 : memref<128x16xf32, #tpu.memory_space<vmem>>) target(%dma_start3A_24 : memref<10112x16xf32, #tpu.memory_space<vmem_shared>>) offsets(%dma_start3A_21 : memref<128xi32, #tpu.memory_space<vmem>>) semaphore(%run_scoped3A_19 : memref<!tpu.dma_semaphore, #tpu.memory_space<semaphore_mem>>) {add = true}
        %dma_wait3A = arith.constant 0 : i32
        %dma_wait3A_25 = tpu.memref_slice %arg6[%run_scoped3A_18, %dma_wait3A] : memref<1x128xi32, #tpu.memory_space<vmem>> -> memref<1x128xi32, #tpu.memory_space<vmem>>
        %dma_wait3A_26 = tpu.memref_squeeze %dma_wait3A_25 : memref<1x128xi32, #tpu.memory_space<vmem>> -> memref<128xi32, #tpu.memory_space<vmem>>
        %dma_wait3A_27 = arith.constant 0 : i32
        %dma_wait3A_28 = arith.constant 0 : i32
        %dma_wait3A_29 = tpu.memref_slice %arg8[%dma_wait3A_27, %dma_wait3A_28] : memref<10112x16xf32, #tpu.memory_space<vmem_shared>> -> memref<10112x16xf32, #tpu.memory_space<vmem_shared>>
        tpu.wait_indirect_dma semaphore(%run_scoped3A_19 : memref<!tpu.dma_semaphore, #tpu.memory_space<semaphore_mem>>) src(%arg7 : memref<128x16xf32, #tpu.memory_space<vmem>>) dst(%dma_wait3A_29 : memref<10112x16xf32, #tpu.memory_space<vmem_shared>>)
        tpu.yield
      }) : () -> ()
    }
    %scan3A_8 = arith.constant 79 : i32
    %barrier3A_9 = arith.constant 0 : index
    tpu.barrier barrier_id(%barrier3A_9)
    "tpu.region"() ({
      %run_scoped3A = tpu.sem_alloc : memref<!tpu.dma_semaphore, #tpu.memory_space<semaphore_mem>>
      %dma_start3A = arith.constant 0 : i32
      %dma_start3A_10 = tpu.memref_slice %arg5[%arg0, %multiple_of3A, %dma_start3A] : memref<2x10112x16xf32, #tpu.memory_space<hbm>> -> memref<1x632x16xf32, #tpu.memory_space<hbm>>
      %dma_start3A_11 = tpu.memref_squeeze %dma_start3A_10 : memref<1x632x16xf32, #tpu.memory_space<hbm>> -> memref<632x16xf32, #tpu.memory_space<hbm>>
      %dma_start3A_12 = arith.constant 0 : i32
      %dma_start3A_13 = tpu.memref_slice %arg8[%multiple_of3A, %dma_start3A_12] : memref<10112x16xf32, #tpu.memory_space<vmem_shared>> -> memref<632x16xf32, #tpu.memory_space<vmem_shared>>
      tpu.enqueue_dma source(%dma_start3A_13 : memref<632x16xf32, #tpu.memory_space<vmem_shared>>) target(%dma_start3A_11 : memref<632x16xf32, #tpu.memory_space<hbm>>) target_semaphore(%run_scoped3A : memref<!tpu.dma_semaphore, #tpu.memory_space<semaphore_mem>>)
      %dma_wait3A = arith.constant 0 : i32
      %dma_wait3A_14 = tpu.memref_slice %arg5[%arg0, %multiple_of3A, %dma_wait3A] : memref<2x10112x16xf32, #tpu.memory_space<hbm>> -> memref<1x632x16xf32, #tpu.memory_space<hbm>>
      %dma_wait3A_15 = tpu.memref_squeeze %dma_wait3A_14 : memref<1x632x16xf32, #tpu.memory_space<hbm>> -> memref<632x16xf32, #tpu.memory_space<hbm>>
      %dma_wait3A_16 = arith.constant 0 : i32
      %dma_wait3A_17 = tpu.memref_slice %arg8[%multiple_of3A, %dma_wait3A_16] : memref<10112x16xf32, #tpu.memory_space<vmem_shared>> -> memref<632x16xf32, #tpu.memory_space<vmem_shared>>
      tpu.wait_dma2 semaphore(%run_scoped3A : memref<!tpu.dma_semaphore, #tpu.memory_space<semaphore_mem>>) src(%dma_wait3A_17 : memref<632x16xf32, #tpu.memory_space<vmem_shared>>) dst(%dma_wait3A_15 : memref<632x16xf32, #tpu.memory_space<hbm>>)
      tpu.yield
    }) : () -> ()
    return
  }
}

#map = affine_map<(d0, d1) -> (0, 0)>
#map1 = affine_map<(d0, d1) -> (0)>
#map2 = affine_map<(d0, d1) -> (0, 0, 0)>
module attributes {stable_mosaic.version = 14 : i64} {
  func.func @seg_kernel(%arg0: i32, %arg1: i32, %arg2: memref<10000x128xf32, #tpu.memory_space<hbm>>, %arg3: memref<323584xi32, #tpu.memory_space<hbm>>, %arg4: memref<323584xi32, #tpu.memory_space<hbm>>, %arg5: memref<2x1x1xf32, #tpu.memory_space<hbm>>, %arg6: memref<2x10112x128xf32, #tpu.memory_space<hbm>>, %arg7: memref<2x10112x128xf32, #tpu.memory_space<hbm>>, %arg8: memref<128xi32, #tpu.memory_space<vmem>>, %arg9: memref<1x128xi32, #tpu.memory_space<vmem>>, %arg10: memref<128x128xf32, #tpu.memory_space<vmem>>, %arg11: memref<10112x128xf32, #tpu.memory_space<vmem_shared>>, %arg12: memref<!tpu.dma_semaphore, #tpu.memory_space<semaphore_mem>>) attributes {dimension_semantics = [#tpu.dimension_semantics<core_parallel>, #tpu.dimension_semantics<subcore_parallel>], iteration_bounds = array<i64: 2, 16>, scalar_prefetch = 0 : i64, scratch_operands = 5 : i64, tpu.core_type = #tpu.core_type<sc_vector_subcore>, window_params = [{transform_indices = #map}, {transform_indices = #map1}, {transform_indices = #map1}, {transform_indices = #map2}, {transform_indices = #map2}, {transform_indices = #map2}]} {
    %mul3A = arith.constant 2 : i32
    %mul3A_0 = arith.muli %arg1, %mul3A : i32
    %add3A = arith.addi %mul3A_0, %arg0 : i32
    %mul3A_1 = arith.constant 632 : i32
    %mul3A_2 = arith.muli %arg1, %mul3A_1 : i32
    %multiple_of3A = tpu.assume_multiple %mul3A_2, 8 : i32
    "tpu.region"() ({
      %run_scoped3A = tpu.sem_alloc : memref<!tpu.dma_semaphore, #tpu.memory_space<semaphore_mem>>
      %dma_start3A = arith.constant 0 : i32
      %dma_start3A_10 = tpu.memref_slice %arg6[%arg0, %multiple_of3A, %dma_start3A] : memref<2x10112x128xf32, #tpu.memory_space<hbm>> -> memref<1x632x128xf32, #tpu.memory_space<hbm>>
      %dma_start3A_11 = tpu.memref_squeeze %dma_start3A_10 : memref<1x632x128xf32, #tpu.memory_space<hbm>> -> memref<632x128xf32, #tpu.memory_space<hbm>>
      %dma_start3A_12 = arith.constant 0 : i32
      %dma_start3A_13 = tpu.memref_slice %arg11[%multiple_of3A, %dma_start3A_12] : memref<10112x128xf32, #tpu.memory_space<vmem_shared>> -> memref<632x128xf32, #tpu.memory_space<vmem_shared>>
      tpu.enqueue_dma source(%dma_start3A_13 : memref<632x128xf32, #tpu.memory_space<vmem_shared>>) target(%dma_start3A_11 : memref<632x128xf32, #tpu.memory_space<hbm>>) target_semaphore(%run_scoped3A : memref<!tpu.dma_semaphore, #tpu.memory_space<semaphore_mem>>)
      %dma_wait3A = arith.constant 0 : i32
      %dma_wait3A_14 = tpu.memref_slice %arg6[%arg0, %multiple_of3A, %dma_wait3A] : memref<2x10112x128xf32, #tpu.memory_space<hbm>> -> memref<1x632x128xf32, #tpu.memory_space<hbm>>
      %dma_wait3A_15 = tpu.memref_squeeze %dma_wait3A_14 : memref<1x632x128xf32, #tpu.memory_space<hbm>> -> memref<632x128xf32, #tpu.memory_space<hbm>>
      %dma_wait3A_16 = arith.constant 0 : i32
      %dma_wait3A_17 = tpu.memref_slice %arg11[%multiple_of3A, %dma_wait3A_16] : memref<10112x128xf32, #tpu.memory_space<vmem_shared>> -> memref<632x128xf32, #tpu.memory_space<vmem_shared>>
      tpu.wait_dma2 semaphore(%run_scoped3A : memref<!tpu.dma_semaphore, #tpu.memory_space<semaphore_mem>>) src(%dma_wait3A_17 : memref<632x128xf32, #tpu.memory_space<vmem_shared>>) dst(%dma_wait3A_15 : memref<632x128xf32, #tpu.memory_space<hbm>>)
      tpu.yield
    }) : () -> ()
    %barrier3A = arith.constant 0 : index
    tpu.barrier barrier_id(%barrier3A)
    %mul3A_3 = arith.constant 10112 : i32
    %mul3A_4 = arith.muli %add3A, %mul3A_3 : i32
    %scan3A = arith.constant 0 : i32
    %scan3A_5 = arith.constant 79 : i32
    %scan3A_6 = arith.addi %scan3A, %scan3A_5 : i32
    %scan3A_7 = arith.constant 1 : i32
    scf.for %scan3A_10 = %scan3A to %scan3A_6 step %scan3A_7  : i32 {
      %mul3A_11 = arith.constant 1 : i32
      %mul3A_12 = arith.muli %scan3A_10, %mul3A_11 : i32
      %add3A_13 = arith.constant 0 : i32
      %add3A_14 = arith.addi %add3A_13, %mul3A_12 : i32
      %mul3A_15 = arith.constant 128 : i32
      %mul3A_16 = arith.muli %add3A_14, %mul3A_15 : i32
      %add3A_17 = arith.addi %mul3A_4, %mul3A_16 : i32
      "tpu.region"() ({
        %run_scoped3A_23 = tpu.sem_alloc : memref<!tpu.dma_semaphore, #tpu.memory_space<semaphore_mem>>
        %dma_start3A_24 = tpu.memref_slice %arg3[%add3A_17] : memref<323584xi32, #tpu.memory_space<hbm>> -> memref<128xi32, #tpu.memory_space<hbm>>
        %dma_start3A_25 = tpu.memref_slice %arg3[%add3A_17] : memref<323584xi32, #tpu.memory_space<hbm>> -> memref<128xi32, #tpu.memory_space<hbm>>
        tpu.enqueue_dma source(%dma_start3A_25 : memref<128xi32, #tpu.memory_space<hbm>>) target(%arg8 : memref<128xi32, #tpu.memory_space<vmem>>) target_semaphore(%run_scoped3A_23 : memref<!tpu.dma_semaphore, #tpu.memory_space<semaphore_mem>>)
        %dma_wait3A_26 = tpu.memref_slice %arg3[%add3A_17] : memref<323584xi32, #tpu.memory_space<hbm>> -> memref<128xi32, #tpu.memory_space<hbm>>
        %dma_wait3A_27 = tpu.memref_slice %arg3[%add3A_17] : memref<323584xi32, #tpu.memory_space<hbm>> -> memref<128xi32, #tpu.memory_space<hbm>>
        tpu.wait_dma2 semaphore(%run_scoped3A_23 : memref<!tpu.dma_semaphore, #tpu.memory_space<semaphore_mem>>) src(%dma_wait3A_27 : memref<128xi32, #tpu.memory_space<hbm>>) dst(%arg8 : memref<128xi32, #tpu.memory_space<vmem>>)
        tpu.yield
      }) : () -> ()
      %run_scoped3A = arith.constant 0 : i32
      "tpu.region"() ({
        %run_scoped3A_23 = tpu.sem_alloc : memref<!tpu.dma_semaphore, #tpu.memory_space<semaphore_mem>>
        %dma_start3A_24 = arith.constant 0 : i32
        %dma_start3A_25 = tpu.memref_slice %arg9[%run_scoped3A, %dma_start3A_24] : memref<1x128xi32, #tpu.memory_space<vmem>> -> memref<1x128xi32, #tpu.memory_space<vmem>>
        %dma_start3A_26 = tpu.memref_squeeze %dma_start3A_25 : memref<1x128xi32, #tpu.memory_space<vmem>> -> memref<128xi32, #tpu.memory_space<vmem>>
        %dma_start3A_27 = tpu.memref_slice %arg4[%add3A_17] : memref<323584xi32, #tpu.memory_space<hbm>> -> memref<128xi32, #tpu.memory_space<hbm>>
        %dma_start3A_28 = arith.constant 0 : i32
        %dma_start3A_29 = tpu.memref_slice %arg9[%run_scoped3A, %dma_start3A_28] : memref<1x128xi32, #tpu.memory_space<vmem>> -> memref<1x128xi32, #tpu.memory_space<vmem>>
        %dma_start3A_30 = tpu.memref_squeeze %dma_start3A_29 : memref<1x128xi32, #tpu.memory_space<vmem>> -> memref<128xi32, #tpu.memory_space<vmem>>
        %dma_start3A_31 = tpu.memref_slice %arg4[%add3A_17] : memref<323584xi32, #tpu.memory_space<hbm>> -> memref<128xi32, #tpu.memory_space<hbm>>
        tpu.enqueue_dma source(%dma_start3A_31 : memref<128xi32, #tpu.memory_space<hbm>>) target(%dma_start3A_30 : memref<128xi32, #tpu.memory_space<vmem>>) target_semaphore(%run_scoped3A_23 : memref<!tpu.dma_semaphore, #tpu.memory_space<semaphore_mem>>)
        %dma_wait3A_32 = arith.constant 0 : i32
        %dma_wait3A_33 = tpu.memref_slice %arg9[%run_scoped3A, %dma_wait3A_32] : memref<1x128xi32, #tpu.memory_space<vmem>> -> memref<1x128xi32, #tpu.memory_space<vmem>>
        %dma_wait3A_34 = tpu.memref_squeeze %dma_wait3A_33 : memref<1x128xi32, #tpu.memory_space<vmem>> -> memref<128xi32, #tpu.memory_space<vmem>>
        %dma_wait3A_35 = tpu.memref_slice %arg4[%add3A_17] : memref<323584xi32, #tpu.memory_space<hbm>> -> memref<128xi32, #tpu.memory_space<hbm>>
        %dma_wait3A_36 = arith.constant 0 : i32
        %dma_wait3A_37 = tpu.memref_slice %arg9[%run_scoped3A, %dma_wait3A_36] : memref<1x128xi32, #tpu.memory_space<vmem>> -> memref<1x128xi32, #tpu.memory_space<vmem>>
        %dma_wait3A_38 = tpu.memref_squeeze %dma_wait3A_37 : memref<1x128xi32, #tpu.memory_space<vmem>> -> memref<128xi32, #tpu.memory_space<vmem>>
        %dma_wait3A_39 = tpu.memref_slice %arg4[%add3A_17] : memref<323584xi32, #tpu.memory_space<hbm>> -> memref<128xi32, #tpu.memory_space<hbm>>
        tpu.wait_dma2 semaphore(%run_scoped3A_23 : memref<!tpu.dma_semaphore, #tpu.memory_space<semaphore_mem>>) src(%dma_wait3A_39 : memref<128xi32, #tpu.memory_space<hbm>>) dst(%dma_wait3A_38 : memref<128xi32, #tpu.memory_space<vmem>>)
        tpu.yield
      }) : () -> ()
      %dma_start3A = arith.constant 0 : i32
      %dma_start3A_18 = arith.constant 0 : i32
      %dma_start3A_19 = tpu.memref_slice %arg2[%dma_start3A, %dma_start3A_18] : memref<10000x128xf32, #tpu.memory_space<hbm>> -> memref<10000x128xf32, #tpu.memory_space<hbm>>
      tpu.enqueue_indirect_dma source(%dma_start3A_19 : memref<10000x128xf32, #tpu.memory_space<hbm>>) target(%arg10 : memref<128x128xf32, #tpu.memory_space<vmem>>) offsets(%arg8 : memref<128xi32, #tpu.memory_space<vmem>>) semaphore(%arg12 : memref<!tpu.dma_semaphore, #tpu.memory_space<semaphore_mem>>)
      %dma_wait3A = arith.constant 0 : i32
      %dma_wait3A_20 = arith.constant 0 : i32
      %dma_wait3A_21 = tpu.memref_slice %arg2[%dma_wait3A, %dma_wait3A_20] : memref<10000x128xf32, #tpu.memory_space<hbm>> -> memref<10000x128xf32, #tpu.memory_space<hbm>>
      tpu.wait_indirect_dma semaphore(%arg12 : memref<!tpu.dma_semaphore, #tpu.memory_space<semaphore_mem>>) src(%dma_wait3A_21 : memref<10000x128xf32, #tpu.memory_space<hbm>>) dst(%arg10 : memref<128x128xf32, #tpu.memory_space<vmem>>)
      %run_scoped3A_22 = arith.constant 0 : i32
      "tpu.region"() ({
        %run_scoped3A_23 = tpu.sem_alloc : memref<!tpu.dma_semaphore, #tpu.memory_space<semaphore_mem>>
        %dma_start3A_24 = arith.constant 0 : i32
        %dma_start3A_25 = tpu.memref_slice %arg9[%run_scoped3A_22, %dma_start3A_24] : memref<1x128xi32, #tpu.memory_space<vmem>> -> memref<1x128xi32, #tpu.memory_space<vmem>>
        %dma_start3A_26 = tpu.memref_squeeze %dma_start3A_25 : memref<1x128xi32, #tpu.memory_space<vmem>> -> memref<128xi32, #tpu.memory_space<vmem>>
        %dma_start3A_27 = arith.constant 0 : i32
        %dma_start3A_28 = arith.constant 0 : i32
        %dma_start3A_29 = tpu.memref_slice %arg11[%dma_start3A_27, %dma_start3A_28] : memref<10112x128xf32, #tpu.memory_space<vmem_shared>> -> memref<10112x128xf32, #tpu.memory_space<vmem_shared>>
        tpu.enqueue_indirect_dma source(%arg10 : memref<128x128xf32, #tpu.memory_space<vmem>>) target(%dma_start3A_29 : memref<10112x128xf32, #tpu.memory_space<vmem_shared>>) offsets(%dma_start3A_26 : memref<128xi32, #tpu.memory_space<vmem>>) semaphore(%run_scoped3A_23 : memref<!tpu.dma_semaphore, #tpu.memory_space<semaphore_mem>>) {add = true}
        %dma_wait3A_30 = arith.constant 0 : i32
        %dma_wait3A_31 = tpu.memref_slice %arg9[%run_scoped3A_22, %dma_wait3A_30] : memref<1x128xi32, #tpu.memory_space<vmem>> -> memref<1x128xi32, #tpu.memory_space<vmem>>
        %dma_wait3A_32 = tpu.memref_squeeze %dma_wait3A_31 : memref<1x128xi32, #tpu.memory_space<vmem>> -> memref<128xi32, #tpu.memory_space<vmem>>
        %dma_wait3A_33 = arith.constant 0 : i32
        %dma_wait3A_34 = arith.constant 0 : i32
        %dma_wait3A_35 = tpu.memref_slice %arg11[%dma_wait3A_33, %dma_wait3A_34] : memref<10112x128xf32, #tpu.memory_space<vmem_shared>> -> memref<10112x128xf32, #tpu.memory_space<vmem_shared>>
        tpu.wait_indirect_dma semaphore(%run_scoped3A_23 : memref<!tpu.dma_semaphore, #tpu.memory_space<semaphore_mem>>) src(%arg10 : memref<128x128xf32, #tpu.memory_space<vmem>>) dst(%dma_wait3A_35 : memref<10112x128xf32, #tpu.memory_space<vmem_shared>>)
        tpu.yield
      }) : () -> ()
    }
    %scan3A_8 = arith.constant 79 : i32
    %barrier3A_9 = arith.constant 0 : index
    tpu.barrier barrier_id(%barrier3A_9)
    "tpu.region"() ({
      %run_scoped3A = tpu.sem_alloc : memref<!tpu.dma_semaphore, #tpu.memory_space<semaphore_mem>>
      %dma_start3A = arith.constant 0 : i32
      %dma_start3A_10 = tpu.memref_slice %arg7[%arg0, %multiple_of3A, %dma_start3A] : memref<2x10112x128xf32, #tpu.memory_space<hbm>> -> memref<1x632x128xf32, #tpu.memory_space<hbm>>
      %dma_start3A_11 = tpu.memref_squeeze %dma_start3A_10 : memref<1x632x128xf32, #tpu.memory_space<hbm>> -> memref<632x128xf32, #tpu.memory_space<hbm>>
      %dma_start3A_12 = arith.constant 0 : i32
      %dma_start3A_13 = tpu.memref_slice %arg11[%multiple_of3A, %dma_start3A_12] : memref<10112x128xf32, #tpu.memory_space<vmem_shared>> -> memref<632x128xf32, #tpu.memory_space<vmem_shared>>
      tpu.enqueue_dma source(%dma_start3A_13 : memref<632x128xf32, #tpu.memory_space<vmem_shared>>) target(%dma_start3A_11 : memref<632x128xf32, #tpu.memory_space<hbm>>) target_semaphore(%run_scoped3A : memref<!tpu.dma_semaphore, #tpu.memory_space<semaphore_mem>>)
      %dma_wait3A = arith.constant 0 : i32
      %dma_wait3A_14 = tpu.memref_slice %arg7[%arg0, %multiple_of3A, %dma_wait3A] : memref<2x10112x128xf32, #tpu.memory_space<hbm>> -> memref<1x632x128xf32, #tpu.memory_space<hbm>>
      %dma_wait3A_15 = tpu.memref_squeeze %dma_wait3A_14 : memref<1x632x128xf32, #tpu.memory_space<hbm>> -> memref<632x128xf32, #tpu.memory_space<hbm>>
      %dma_wait3A_16 = arith.constant 0 : i32
      %dma_wait3A_17 = tpu.memref_slice %arg11[%multiple_of3A, %dma_wait3A_16] : memref<10112x128xf32, #tpu.memory_space<vmem_shared>> -> memref<632x128xf32, #tpu.memory_space<vmem_shared>>
      tpu.wait_dma2 semaphore(%run_scoped3A : memref<!tpu.dma_semaphore, #tpu.memory_space<semaphore_mem>>) src(%dma_wait3A_17 : memref<632x128xf32, #tpu.memory_space<vmem_shared>>) dst(%dma_wait3A_15 : memref<632x128xf32, #tpu.memory_space<hbm>>)
      tpu.yield
    }) : () -> ()
    return
  }
}

#map = affine_map<(d0, d1) -> (0, 0)>
#map1 = affine_map<(d0, d1) -> (0)>
#map2 = affine_map<(d0, d1) -> (0, 0, 0)>
module attributes {stable_mosaic.version = 14 : i64} {
  func.func @seg_kernel(%arg0: i32, %arg1: i32, %arg2: memref<10000x128xf32, #tpu.memory_space<hbm>>, %arg3: memref<323584xi32, #tpu.memory_space<hbm>>, %arg4: memref<323584xi32, #tpu.memory_space<hbm>>, %arg5: memref<2x1x1xf32, #tpu.memory_space<hbm>>, %arg6: memref<2x10112x128xf32, #tpu.memory_space<hbm>>, %arg7: memref<2x10112x128xf32, #tpu.memory_space<hbm>>, %arg8: memref<128xi32, #tpu.memory_space<vmem>>, %arg9: memref<1x128xi32, #tpu.memory_space<vmem>>, %arg10: memref<128x128xf32, #tpu.memory_space<vmem>>, %arg11: memref<10112x128xf32, #tpu.memory_space<vmem_shared>>, %arg12: memref<!tpu.dma_semaphore, #tpu.memory_space<semaphore_mem>>) attributes {dimension_semantics = [#tpu.dimension_semantics<core_parallel>, #tpu.dimension_semantics<subcore_parallel>], iteration_bounds = array<i64: 2, 16>, scalar_prefetch = 0 : i64, scratch_operands = 5 : i64, tpu.core_type = #tpu.core_type<sc_vector_subcore>, window_params = [{transform_indices = #map}, {transform_indices = #map1}, {transform_indices = #map1}, {transform_indices = #map2}, {transform_indices = #map2}, {transform_indices = #map2}]} {
    %mul3A = arith.constant 2 : i32
    %mul3A_0 = arith.muli %arg1, %mul3A : i32
    %add3A = arith.addi %mul3A_0, %arg0 : i32
    %mul3A_1 = arith.constant 632 : i32
    %mul3A_2 = arith.muli %arg1, %mul3A_1 : i32
    %multiple_of3A = tpu.assume_multiple %mul3A_2, 8 : i32
    "tpu.region"() ({
      %run_scoped3A = tpu.sem_alloc : memref<!tpu.dma_semaphore, #tpu.memory_space<semaphore_mem>>
      %dma_start3A = arith.constant 0 : i32
      %dma_start3A_10 = tpu.memref_slice %arg6[%arg0, %multiple_of3A, %dma_start3A] : memref<2x10112x128xf32, #tpu.memory_space<hbm>> -> memref<1x632x128xf32, #tpu.memory_space<hbm>>
      %dma_start3A_11 = tpu.memref_squeeze %dma_start3A_10 : memref<1x632x128xf32, #tpu.memory_space<hbm>> -> memref<632x128xf32, #tpu.memory_space<hbm>>
      %dma_start3A_12 = arith.constant 0 : i32
      %dma_start3A_13 = tpu.memref_slice %arg11[%multiple_of3A, %dma_start3A_12] : memref<10112x128xf32, #tpu.memory_space<vmem_shared>> -> memref<632x128xf32, #tpu.memory_space<vmem_shared>>
      tpu.enqueue_dma source(%dma_start3A_13 : memref<632x128xf32, #tpu.memory_space<vmem_shared>>) target(%dma_start3A_11 : memref<632x128xf32, #tpu.memory_space<hbm>>) target_semaphore(%run_scoped3A : memref<!tpu.dma_semaphore, #tpu.memory_space<semaphore_mem>>)
      %dma_wait3A = arith.constant 0 : i32
      %dma_wait3A_14 = tpu.memref_slice %arg6[%arg0, %multiple_of3A, %dma_wait3A] : memref<2x10112x128xf32, #tpu.memory_space<hbm>> -> memref<1x632x128xf32, #tpu.memory_space<hbm>>
      %dma_wait3A_15 = tpu.memref_squeeze %dma_wait3A_14 : memref<1x632x128xf32, #tpu.memory_space<hbm>> -> memref<632x128xf32, #tpu.memory_space<hbm>>
      %dma_wait3A_16 = arith.constant 0 : i32
      %dma_wait3A_17 = tpu.memref_slice %arg11[%multiple_of3A, %dma_wait3A_16] : memref<10112x128xf32, #tpu.memory_space<vmem_shared>> -> memref<632x128xf32, #tpu.memory_space<vmem_shared>>
      tpu.wait_dma2 semaphore(%run_scoped3A : memref<!tpu.dma_semaphore, #tpu.memory_space<semaphore_mem>>) src(%dma_wait3A_17 : memref<632x128xf32, #tpu.memory_space<vmem_shared>>) dst(%dma_wait3A_15 : memref<632x128xf32, #tpu.memory_space<hbm>>)
      tpu.yield
    }) : () -> ()
    %barrier3A = arith.constant 0 : index
    tpu.barrier barrier_id(%barrier3A)
    %mul3A_3 = arith.constant 10112 : i32
    %mul3A_4 = arith.muli %add3A, %mul3A_3 : i32
    %scan3A = arith.constant 0 : i32
    %scan3A_5 = arith.constant 79 : i32
    %scan3A_6 = arith.addi %scan3A, %scan3A_5 : i32
    %scan3A_7 = arith.constant 1 : i32
    scf.for %scan3A_10 = %scan3A to %scan3A_6 step %scan3A_7  : i32 {
      %mul3A_11 = arith.constant 1 : i32
      %mul3A_12 = arith.muli %scan3A_10, %mul3A_11 : i32
      %add3A_13 = arith.constant 0 : i32
      %add3A_14 = arith.addi %add3A_13, %mul3A_12 : i32
      %mul3A_15 = arith.constant 128 : i32
      %mul3A_16 = arith.muli %add3A_14, %mul3A_15 : i32
      %add3A_17 = arith.addi %mul3A_4, %mul3A_16 : i32
      "tpu.region"() ({
        %run_scoped3A_23 = tpu.sem_alloc : memref<!tpu.dma_semaphore, #tpu.memory_space<semaphore_mem>>
        %dma_start3A_24 = tpu.memref_slice %arg3[%add3A_17] : memref<323584xi32, #tpu.memory_space<hbm>> -> memref<128xi32, #tpu.memory_space<hbm>>
        %dma_start3A_25 = tpu.memref_slice %arg3[%add3A_17] : memref<323584xi32, #tpu.memory_space<hbm>> -> memref<128xi32, #tpu.memory_space<hbm>>
        tpu.enqueue_dma source(%dma_start3A_25 : memref<128xi32, #tpu.memory_space<hbm>>) target(%arg8 : memref<128xi32, #tpu.memory_space<vmem>>) target_semaphore(%run_scoped3A_23 : memref<!tpu.dma_semaphore, #tpu.memory_space<semaphore_mem>>)
        %dma_wait3A_26 = tpu.memref_slice %arg3[%add3A_17] : memref<323584xi32, #tpu.memory_space<hbm>> -> memref<128xi32, #tpu.memory_space<hbm>>
        %dma_wait3A_27 = tpu.memref_slice %arg3[%add3A_17] : memref<323584xi32, #tpu.memory_space<hbm>> -> memref<128xi32, #tpu.memory_space<hbm>>
        tpu.wait_dma2 semaphore(%run_scoped3A_23 : memref<!tpu.dma_semaphore, #tpu.memory_space<semaphore_mem>>) src(%dma_wait3A_27 : memref<128xi32, #tpu.memory_space<hbm>>) dst(%arg8 : memref<128xi32, #tpu.memory_space<vmem>>)
        tpu.yield
      }) : () -> ()
      %run_scoped3A = arith.constant 0 : i32
      "tpu.region"() ({
        %run_scoped3A_23 = tpu.sem_alloc : memref<!tpu.dma_semaphore, #tpu.memory_space<semaphore_mem>>
        %dma_start3A_24 = arith.constant 0 : i32
        %dma_start3A_25 = tpu.memref_slice %arg9[%run_scoped3A, %dma_start3A_24] : memref<1x128xi32, #tpu.memory_space<vmem>> -> memref<1x128xi32, #tpu.memory_space<vmem>>
        %dma_start3A_26 = tpu.memref_squeeze %dma_start3A_25 : memref<1x128xi32, #tpu.memory_space<vmem>> -> memref<128xi32, #tpu.memory_space<vmem>>
        %dma_start3A_27 = tpu.memref_slice %arg4[%add3A_17] : memref<323584xi32, #tpu.memory_space<hbm>> -> memref<128xi32, #tpu.memory_space<hbm>>
        %dma_start3A_28 = arith.constant 0 : i32
        %dma_start3A_29 = tpu.memref_slice %arg9[%run_scoped3A, %dma_start3A_28] : memref<1x128xi32, #tpu.memory_space<vmem>> -> memref<1x128xi32, #tpu.memory_space<vmem>>
        %dma_start3A_30 = tpu.memref_squeeze %dma_start3A_29 : memref<1x128xi32, #tpu.memory_space<vmem>> -> memref<128xi32, #tpu.memory_space<vmem>>
        %dma_start3A_31 = tpu.memref_slice %arg4[%add3A_17] : memref<323584xi32, #tpu.memory_space<hbm>> -> memref<128xi32, #tpu.memory_space<hbm>>
        tpu.enqueue_dma source(%dma_start3A_31 : memref<128xi32, #tpu.memory_space<hbm>>) target(%dma_start3A_30 : memref<128xi32, #tpu.memory_space<vmem>>) target_semaphore(%run_scoped3A_23 : memref<!tpu.dma_semaphore, #tpu.memory_space<semaphore_mem>>)
        %dma_wait3A_32 = arith.constant 0 : i32
        %dma_wait3A_33 = tpu.memref_slice %arg9[%run_scoped3A, %dma_wait3A_32] : memref<1x128xi32, #tpu.memory_space<vmem>> -> memref<1x128xi32, #tpu.memory_space<vmem>>
        %dma_wait3A_34 = tpu.memref_squeeze %dma_wait3A_33 : memref<1x128xi32, #tpu.memory_space<vmem>> -> memref<128xi32, #tpu.memory_space<vmem>>
        %dma_wait3A_35 = tpu.memref_slice %arg4[%add3A_17] : memref<323584xi32, #tpu.memory_space<hbm>> -> memref<128xi32, #tpu.memory_space<hbm>>
        %dma_wait3A_36 = arith.constant 0 : i32
        %dma_wait3A_37 = tpu.memref_slice %arg9[%run_scoped3A, %dma_wait3A_36] : memref<1x128xi32, #tpu.memory_space<vmem>> -> memref<1x128xi32, #tpu.memory_space<vmem>>
        %dma_wait3A_38 = tpu.memref_squeeze %dma_wait3A_37 : memref<1x128xi32, #tpu.memory_space<vmem>> -> memref<128xi32, #tpu.memory_space<vmem>>
        %dma_wait3A_39 = tpu.memref_slice %arg4[%add3A_17] : memref<323584xi32, #tpu.memory_space<hbm>> -> memref<128xi32, #tpu.memory_space<hbm>>
        tpu.wait_dma2 semaphore(%run_scoped3A_23 : memref<!tpu.dma_semaphore, #tpu.memory_space<semaphore_mem>>) src(%dma_wait3A_39 : memref<128xi32, #tpu.memory_space<hbm>>) dst(%dma_wait3A_38 : memref<128xi32, #tpu.memory_space<vmem>>)
        tpu.yield
      }) : () -> ()
      %dma_start3A = arith.constant 0 : i32
      %dma_start3A_18 = arith.constant 0 : i32
      %dma_start3A_19 = tpu.memref_slice %arg2[%dma_start3A, %dma_start3A_18] : memref<10000x128xf32, #tpu.memory_space<hbm>> -> memref<10000x128xf32, #tpu.memory_space<hbm>>
      tpu.enqueue_indirect_dma source(%dma_start3A_19 : memref<10000x128xf32, #tpu.memory_space<hbm>>) target(%arg10 : memref<128x128xf32, #tpu.memory_space<vmem>>) offsets(%arg8 : memref<128xi32, #tpu.memory_space<vmem>>) semaphore(%arg12 : memref<!tpu.dma_semaphore, #tpu.memory_space<semaphore_mem>>)
      %dma_wait3A = arith.constant 0 : i32
      %dma_wait3A_20 = arith.constant 0 : i32
      %dma_wait3A_21 = tpu.memref_slice %arg2[%dma_wait3A, %dma_wait3A_20] : memref<10000x128xf32, #tpu.memory_space<hbm>> -> memref<10000x128xf32, #tpu.memory_space<hbm>>
      tpu.wait_indirect_dma semaphore(%arg12 : memref<!tpu.dma_semaphore, #tpu.memory_space<semaphore_mem>>) src(%dma_wait3A_21 : memref<10000x128xf32, #tpu.memory_space<hbm>>) dst(%arg10 : memref<128x128xf32, #tpu.memory_space<vmem>>)
      %run_scoped3A_22 = arith.constant 0 : i32
      "tpu.region"() ({
        %run_scoped3A_23 = tpu.sem_alloc : memref<!tpu.dma_semaphore, #tpu.memory_space<semaphore_mem>>
        %dma_start3A_24 = arith.constant 0 : i32
        %dma_start3A_25 = tpu.memref_slice %arg9[%run_scoped3A_22, %dma_start3A_24] : memref<1x128xi32, #tpu.memory_space<vmem>> -> memref<1x128xi32, #tpu.memory_space<vmem>>
        %dma_start3A_26 = tpu.memref_squeeze %dma_start3A_25 : memref<1x128xi32, #tpu.memory_space<vmem>> -> memref<128xi32, #tpu.memory_space<vmem>>
        %dma_start3A_27 = arith.constant 0 : i32
        %dma_start3A_28 = arith.constant 0 : i32
        %dma_start3A_29 = tpu.memref_slice %arg11[%dma_start3A_27, %dma_start3A_28] : memref<10112x128xf32, #tpu.memory_space<vmem_shared>> -> memref<10112x128xf32, #tpu.memory_space<vmem_shared>>
        tpu.enqueue_indirect_dma source(%arg10 : memref<128x128xf32, #tpu.memory_space<vmem>>) target(%dma_start3A_29 : memref<10112x128xf32, #tpu.memory_space<vmem_shared>>) offsets(%dma_start3A_26 : memref<128xi32, #tpu.memory_space<vmem>>) semaphore(%run_scoped3A_23 : memref<!tpu.dma_semaphore, #tpu.memory_space<semaphore_mem>>) {add = true}
        %dma_wait3A_30 = arith.constant 0 : i32
        %dma_wait3A_31 = tpu.memref_slice %arg9[%run_scoped3A_22, %dma_wait3A_30] : memref<1x128xi32, #tpu.memory_space<vmem>> -> memref<1x128xi32, #tpu.memory_space<vmem>>
        %dma_wait3A_32 = tpu.memref_squeeze %dma_wait3A_31 : memref<1x128xi32, #tpu.memory_space<vmem>> -> memref<128xi32, #tpu.memory_space<vmem>>
        %dma_wait3A_33 = arith.constant 0 : i32
        %dma_wait3A_34 = arith.constant 0 : i32
        %dma_wait3A_35 = tpu.memref_slice %arg11[%dma_wait3A_33, %dma_wait3A_34] : memref<10112x128xf32, #tpu.memory_space<vmem_shared>> -> memref<10112x128xf32, #tpu.memory_space<vmem_shared>>
        tpu.wait_indirect_dma semaphore(%run_scoped3A_23 : memref<!tpu.dma_semaphore, #tpu.memory_space<semaphore_mem>>) src(%arg10 : memref<128x128xf32, #tpu.memory_space<vmem>>) dst(%dma_wait3A_35 : memref<10112x128xf32, #tpu.memory_space<vmem_shared>>)
        tpu.yield
      }) : () -> ()
    }
    %scan3A_8 = arith.constant 79 : i32
    %barrier3A_9 = arith.constant 0 : index
    tpu.barrier barrier_id(%barrier3A_9)
    "tpu.region"() ({
      %run_scoped3A = tpu.sem_alloc : memref<!tpu.dma_semaphore, #tpu.memory_space<semaphore_mem>>
      %dma_start3A = arith.constant 0 : i32
      %dma_start3A_10 = tpu.memref_slice %arg7[%arg0, %multiple_of3A, %dma_start3A] : memref<2x10112x128xf32, #tpu.memory_space<hbm>> -> memref<1x632x128xf32, #tpu.memory_space<hbm>>
      %dma_start3A_11 = tpu.memref_squeeze %dma_start3A_10 : memref<1x632x128xf32, #tpu.memory_space<hbm>> -> memref<632x128xf32, #tpu.memory_space<hbm>>
      %dma_start3A_12 = arith.constant 0 : i32
      %dma_start3A_13 = tpu.memref_slice %arg11[%multiple_of3A, %dma_start3A_12] : memref<10112x128xf32, #tpu.memory_space<vmem_shared>> -> memref<632x128xf32, #tpu.memory_space<vmem_shared>>
      tpu.enqueue_dma source(%dma_start3A_13 : memref<632x128xf32, #tpu.memory_space<vmem_shared>>) target(%dma_start3A_11 : memref<632x128xf32, #tpu.memory_space<hbm>>) target_semaphore(%run_scoped3A : memref<!tpu.dma_semaphore, #tpu.memory_space<semaphore_mem>>)
      %dma_wait3A = arith.constant 0 : i32
      %dma_wait3A_14 = tpu.memref_slice %arg7[%arg0, %multiple_of3A, %dma_wait3A] : memref<2x10112x128xf32, #tpu.memory_space<hbm>> -> memref<1x632x128xf32, #tpu.memory_space<hbm>>
      %dma_wait3A_15 = tpu.memref_squeeze %dma_wait3A_14 : memref<1x632x128xf32, #tpu.memory_space<hbm>> -> memref<632x128xf32, #tpu.memory_space<hbm>>
      %dma_wait3A_16 = arith.constant 0 : i32
      %dma_wait3A_17 = tpu.memref_slice %arg11[%multiple_of3A, %dma_wait3A_16] : memref<10112x128xf32, #tpu.memory_space<vmem_shared>> -> memref<632x128xf32, #tpu.memory_space<vmem_shared>>
      tpu.wait_dma2 semaphore(%run_scoped3A : memref<!tpu.dma_semaphore, #tpu.memory_space<semaphore_mem>>) src(%dma_wait3A_17 : memref<632x128xf32, #tpu.memory_space<vmem_shared>>) dst(%dma_wait3A_15 : memref<632x128xf32, #tpu.memory_space<hbm>>)
      tpu.yield
    }) : () -> ()
    return
  }
}

#map = affine_map<(d0, d1) -> (0, 0)>
#map1 = affine_map<(d0, d1) -> (0)>
#map2 = affine_map<(d0, d1) -> (0, 0, 0)>
module attributes {stable_mosaic.version = 14 : i64} {
  func.func @seg_kernel(%arg0: i32, %arg1: i32, %arg2: memref<10000x128xf32, #tpu.memory_space<hbm>>, %arg3: memref<323584xi32, #tpu.memory_space<hbm>>, %arg4: memref<323584xi32, #tpu.memory_space<hbm>>, %arg5: memref<2x1x1xf32, #tpu.memory_space<hbm>>, %arg6: memref<2x10112x128xf32, #tpu.memory_space<hbm>>, %arg7: memref<2x10112x128xf32, #tpu.memory_space<hbm>>, %arg8: memref<128xi32, #tpu.memory_space<vmem>>, %arg9: memref<1x128xi32, #tpu.memory_space<vmem>>, %arg10: memref<128x128xf32, #tpu.memory_space<vmem>>, %arg11: memref<10112x128xf32, #tpu.memory_space<vmem_shared>>, %arg12: memref<!tpu.dma_semaphore, #tpu.memory_space<semaphore_mem>>) attributes {dimension_semantics = [#tpu.dimension_semantics<core_parallel>, #tpu.dimension_semantics<subcore_parallel>], iteration_bounds = array<i64: 2, 16>, scalar_prefetch = 0 : i64, scratch_operands = 5 : i64, tpu.core_type = #tpu.core_type<sc_vector_subcore>, window_params = [{transform_indices = #map}, {transform_indices = #map1}, {transform_indices = #map1}, {transform_indices = #map2}, {transform_indices = #map2}, {transform_indices = #map2}]} {
    %mul3A = arith.constant 2 : i32
    %mul3A_0 = arith.muli %arg1, %mul3A : i32
    %add3A = arith.addi %mul3A_0, %arg0 : i32
    %mul3A_1 = arith.constant 632 : i32
    %mul3A_2 = arith.muli %arg1, %mul3A_1 : i32
    %multiple_of3A = tpu.assume_multiple %mul3A_2, 8 : i32
    "tpu.region"() ({
      %run_scoped3A = tpu.sem_alloc : memref<!tpu.dma_semaphore, #tpu.memory_space<semaphore_mem>>
      %dma_start3A = arith.constant 0 : i32
      %dma_start3A_10 = tpu.memref_slice %arg6[%arg0, %multiple_of3A, %dma_start3A] : memref<2x10112x128xf32, #tpu.memory_space<hbm>> -> memref<1x632x128xf32, #tpu.memory_space<hbm>>
      %dma_start3A_11 = tpu.memref_squeeze %dma_start3A_10 : memref<1x632x128xf32, #tpu.memory_space<hbm>> -> memref<632x128xf32, #tpu.memory_space<hbm>>
      %dma_start3A_12 = arith.constant 0 : i32
      %dma_start3A_13 = tpu.memref_slice %arg11[%multiple_of3A, %dma_start3A_12] : memref<10112x128xf32, #tpu.memory_space<vmem_shared>> -> memref<632x128xf32, #tpu.memory_space<vmem_shared>>
      tpu.enqueue_dma source(%dma_start3A_13 : memref<632x128xf32, #tpu.memory_space<vmem_shared>>) target(%dma_start3A_11 : memref<632x128xf32, #tpu.memory_space<hbm>>) target_semaphore(%run_scoped3A : memref<!tpu.dma_semaphore, #tpu.memory_space<semaphore_mem>>)
      %dma_wait3A = arith.constant 0 : i32
      %dma_wait3A_14 = tpu.memref_slice %arg6[%arg0, %multiple_of3A, %dma_wait3A] : memref<2x10112x128xf32, #tpu.memory_space<hbm>> -> memref<1x632x128xf32, #tpu.memory_space<hbm>>
      %dma_wait3A_15 = tpu.memref_squeeze %dma_wait3A_14 : memref<1x632x128xf32, #tpu.memory_space<hbm>> -> memref<632x128xf32, #tpu.memory_space<hbm>>
      %dma_wait3A_16 = arith.constant 0 : i32
      %dma_wait3A_17 = tpu.memref_slice %arg11[%multiple_of3A, %dma_wait3A_16] : memref<10112x128xf32, #tpu.memory_space<vmem_shared>> -> memref<632x128xf32, #tpu.memory_space<vmem_shared>>
      tpu.wait_dma2 semaphore(%run_scoped3A : memref<!tpu.dma_semaphore, #tpu.memory_space<semaphore_mem>>) src(%dma_wait3A_17 : memref<632x128xf32, #tpu.memory_space<vmem_shared>>) dst(%dma_wait3A_15 : memref<632x128xf32, #tpu.memory_space<hbm>>)
      tpu.yield
    }) : () -> ()
    %barrier3A = arith.constant 0 : index
    tpu.barrier barrier_id(%barrier3A)
    %mul3A_3 = arith.constant 10112 : i32
    %mul3A_4 = arith.muli %add3A, %mul3A_3 : i32
    %scan3A = arith.constant 0 : i32
    %scan3A_5 = arith.constant 79 : i32
    %scan3A_6 = arith.addi %scan3A, %scan3A_5 : i32
    %scan3A_7 = arith.constant 1 : i32
    scf.for %scan3A_10 = %scan3A to %scan3A_6 step %scan3A_7  : i32 {
      %mul3A_11 = arith.constant 1 : i32
      %mul3A_12 = arith.muli %scan3A_10, %mul3A_11 : i32
      %add3A_13 = arith.constant 0 : i32
      %add3A_14 = arith.addi %add3A_13, %mul3A_12 : i32
      %mul3A_15 = arith.constant 128 : i32
      %mul3A_16 = arith.muli %add3A_14, %mul3A_15 : i32
      %add3A_17 = arith.addi %mul3A_4, %mul3A_16 : i32
      "tpu.region"() ({
        %run_scoped3A_23 = tpu.sem_alloc : memref<!tpu.dma_semaphore, #tpu.memory_space<semaphore_mem>>
        %dma_start3A_24 = tpu.memref_slice %arg3[%add3A_17] : memref<323584xi32, #tpu.memory_space<hbm>> -> memref<128xi32, #tpu.memory_space<hbm>>
        %dma_start3A_25 = tpu.memref_slice %arg3[%add3A_17] : memref<323584xi32, #tpu.memory_space<hbm>> -> memref<128xi32, #tpu.memory_space<hbm>>
        tpu.enqueue_dma source(%dma_start3A_25 : memref<128xi32, #tpu.memory_space<hbm>>) target(%arg8 : memref<128xi32, #tpu.memory_space<vmem>>) target_semaphore(%run_scoped3A_23 : memref<!tpu.dma_semaphore, #tpu.memory_space<semaphore_mem>>)
        %dma_wait3A_26 = tpu.memref_slice %arg3[%add3A_17] : memref<323584xi32, #tpu.memory_space<hbm>> -> memref<128xi32, #tpu.memory_space<hbm>>
        %dma_wait3A_27 = tpu.memref_slice %arg3[%add3A_17] : memref<323584xi32, #tpu.memory_space<hbm>> -> memref<128xi32, #tpu.memory_space<hbm>>
        tpu.wait_dma2 semaphore(%run_scoped3A_23 : memref<!tpu.dma_semaphore, #tpu.memory_space<semaphore_mem>>) src(%dma_wait3A_27 : memref<128xi32, #tpu.memory_space<hbm>>) dst(%arg8 : memref<128xi32, #tpu.memory_space<vmem>>)
        tpu.yield
      }) : () -> ()
      %run_scoped3A = arith.constant 0 : i32
      "tpu.region"() ({
        %run_scoped3A_23 = tpu.sem_alloc : memref<!tpu.dma_semaphore, #tpu.memory_space<semaphore_mem>>
        %dma_start3A_24 = arith.constant 0 : i32
        %dma_start3A_25 = tpu.memref_slice %arg9[%run_scoped3A, %dma_start3A_24] : memref<1x128xi32, #tpu.memory_space<vmem>> -> memref<1x128xi32, #tpu.memory_space<vmem>>
        %dma_start3A_26 = tpu.memref_squeeze %dma_start3A_25 : memref<1x128xi32, #tpu.memory_space<vmem>> -> memref<128xi32, #tpu.memory_space<vmem>>
        %dma_start3A_27 = tpu.memref_slice %arg4[%add3A_17] : memref<323584xi32, #tpu.memory_space<hbm>> -> memref<128xi32, #tpu.memory_space<hbm>>
        %dma_start3A_28 = arith.constant 0 : i32
        %dma_start3A_29 = tpu.memref_slice %arg9[%run_scoped3A, %dma_start3A_28] : memref<1x128xi32, #tpu.memory_space<vmem>> -> memref<1x128xi32, #tpu.memory_space<vmem>>
        %dma_start3A_30 = tpu.memref_squeeze %dma_start3A_29 : memref<1x128xi32, #tpu.memory_space<vmem>> -> memref<128xi32, #tpu.memory_space<vmem>>
        %dma_start3A_31 = tpu.memref_slice %arg4[%add3A_17] : memref<323584xi32, #tpu.memory_space<hbm>> -> memref<128xi32, #tpu.memory_space<hbm>>
        tpu.enqueue_dma source(%dma_start3A_31 : memref<128xi32, #tpu.memory_space<hbm>>) target(%dma_start3A_30 : memref<128xi32, #tpu.memory_space<vmem>>) target_semaphore(%run_scoped3A_23 : memref<!tpu.dma_semaphore, #tpu.memory_space<semaphore_mem>>)
        %dma_wait3A_32 = arith.constant 0 : i32
        %dma_wait3A_33 = tpu.memref_slice %arg9[%run_scoped3A, %dma_wait3A_32] : memref<1x128xi32, #tpu.memory_space<vmem>> -> memref<1x128xi32, #tpu.memory_space<vmem>>
        %dma_wait3A_34 = tpu.memref_squeeze %dma_wait3A_33 : memref<1x128xi32, #tpu.memory_space<vmem>> -> memref<128xi32, #tpu.memory_space<vmem>>
        %dma_wait3A_35 = tpu.memref_slice %arg4[%add3A_17] : memref<323584xi32, #tpu.memory_space<hbm>> -> memref<128xi32, #tpu.memory_space<hbm>>
        %dma_wait3A_36 = arith.constant 0 : i32
        %dma_wait3A_37 = tpu.memref_slice %arg9[%run_scoped3A, %dma_wait3A_36] : memref<1x128xi32, #tpu.memory_space<vmem>> -> memref<1x128xi32, #tpu.memory_space<vmem>>
        %dma_wait3A_38 = tpu.memref_squeeze %dma_wait3A_37 : memref<1x128xi32, #tpu.memory_space<vmem>> -> memref<128xi32, #tpu.memory_space<vmem>>
        %dma_wait3A_39 = tpu.memref_slice %arg4[%add3A_17] : memref<323584xi32, #tpu.memory_space<hbm>> -> memref<128xi32, #tpu.memory_space<hbm>>
        tpu.wait_dma2 semaphore(%run_scoped3A_23 : memref<!tpu.dma_semaphore, #tpu.memory_space<semaphore_mem>>) src(%dma_wait3A_39 : memref<128xi32, #tpu.memory_space<hbm>>) dst(%dma_wait3A_38 : memref<128xi32, #tpu.memory_space<vmem>>)
        tpu.yield
      }) : () -> ()
      %dma_start3A = arith.constant 0 : i32
      %dma_start3A_18 = arith.constant 0 : i32
      %dma_start3A_19 = tpu.memref_slice %arg2[%dma_start3A, %dma_start3A_18] : memref<10000x128xf32, #tpu.memory_space<hbm>> -> memref<10000x128xf32, #tpu.memory_space<hbm>>
      tpu.enqueue_indirect_dma source(%dma_start3A_19 : memref<10000x128xf32, #tpu.memory_space<hbm>>) target(%arg10 : memref<128x128xf32, #tpu.memory_space<vmem>>) offsets(%arg8 : memref<128xi32, #tpu.memory_space<vmem>>) semaphore(%arg12 : memref<!tpu.dma_semaphore, #tpu.memory_space<semaphore_mem>>)
      %dma_wait3A = arith.constant 0 : i32
      %dma_wait3A_20 = arith.constant 0 : i32
      %dma_wait3A_21 = tpu.memref_slice %arg2[%dma_wait3A, %dma_wait3A_20] : memref<10000x128xf32, #tpu.memory_space<hbm>> -> memref<10000x128xf32, #tpu.memory_space<hbm>>
      tpu.wait_indirect_dma semaphore(%arg12 : memref<!tpu.dma_semaphore, #tpu.memory_space<semaphore_mem>>) src(%dma_wait3A_21 : memref<10000x128xf32, #tpu.memory_space<hbm>>) dst(%arg10 : memref<128x128xf32, #tpu.memory_space<vmem>>)
      %run_scoped3A_22 = arith.constant 0 : i32
      "tpu.region"() ({
        %run_scoped3A_23 = tpu.sem_alloc : memref<!tpu.dma_semaphore, #tpu.memory_space<semaphore_mem>>
        %dma_start3A_24 = arith.constant 0 : i32
        %dma_start3A_25 = tpu.memref_slice %arg9[%run_scoped3A_22, %dma_start3A_24] : memref<1x128xi32, #tpu.memory_space<vmem>> -> memref<1x128xi32, #tpu.memory_space<vmem>>
        %dma_start3A_26 = tpu.memref_squeeze %dma_start3A_25 : memref<1x128xi32, #tpu.memory_space<vmem>> -> memref<128xi32, #tpu.memory_space<vmem>>
        %dma_start3A_27 = arith.constant 0 : i32
        %dma_start3A_28 = arith.constant 0 : i32
        %dma_start3A_29 = tpu.memref_slice %arg11[%dma_start3A_27, %dma_start3A_28] : memref<10112x128xf32, #tpu.memory_space<vmem_shared>> -> memref<10112x128xf32, #tpu.memory_space<vmem_shared>>
        tpu.enqueue_indirect_dma source(%arg10 : memref<128x128xf32, #tpu.memory_space<vmem>>) target(%dma_start3A_29 : memref<10112x128xf32, #tpu.memory_space<vmem_shared>>) offsets(%dma_start3A_26 : memref<128xi32, #tpu.memory_space<vmem>>) semaphore(%run_scoped3A_23 : memref<!tpu.dma_semaphore, #tpu.memory_space<semaphore_mem>>) {add = true}
        %dma_wait3A_30 = arith.constant 0 : i32
        %dma_wait3A_31 = tpu.memref_slice %arg9[%run_scoped3A_22, %dma_wait3A_30] : memref<1x128xi32, #tpu.memory_space<vmem>> -> memref<1x128xi32, #tpu.memory_space<vmem>>
        %dma_wait3A_32 = tpu.memref_squeeze %dma_wait3A_31 : memref<1x128xi32, #tpu.memory_space<vmem>> -> memref<128xi32, #tpu.memory_space<vmem>>
        %dma_wait3A_33 = arith.constant 0 : i32
        %dma_wait3A_34 = arith.constant 0 : i32
        %dma_wait3A_35 = tpu.memref_slice %arg11[%dma_wait3A_33, %dma_wait3A_34] : memref<10112x128xf32, #tpu.memory_space<vmem_shared>> -> memref<10112x128xf32, #tpu.memory_space<vmem_shared>>
        tpu.wait_indirect_dma semaphore(%run_scoped3A_23 : memref<!tpu.dma_semaphore, #tpu.memory_space<semaphore_mem>>) src(%arg10 : memref<128x128xf32, #tpu.memory_space<vmem>>) dst(%dma_wait3A_35 : memref<10112x128xf32, #tpu.memory_space<vmem_shared>>)
        tpu.yield
      }) : () -> ()
    }
    %scan3A_8 = arith.constant 79 : i32
    %barrier3A_9 = arith.constant 0 : index
    tpu.barrier barrier_id(%barrier3A_9)
    "tpu.region"() ({
      %run_scoped3A = tpu.sem_alloc : memref<!tpu.dma_semaphore, #tpu.memory_space<semaphore_mem>>
      %dma_start3A = arith.constant 0 : i32
      %dma_start3A_10 = tpu.memref_slice %arg7[%arg0, %multiple_of3A, %dma_start3A] : memref<2x10112x128xf32, #tpu.memory_space<hbm>> -> memref<1x632x128xf32, #tpu.memory_space<hbm>>
      %dma_start3A_11 = tpu.memref_squeeze %dma_start3A_10 : memref<1x632x128xf32, #tpu.memory_space<hbm>> -> memref<632x128xf32, #tpu.memory_space<hbm>>
      %dma_start3A_12 = arith.constant 0 : i32
      %dma_start3A_13 = tpu.memref_slice %arg11[%multiple_of3A, %dma_start3A_12] : memref<10112x128xf32, #tpu.memory_space<vmem_shared>> -> memref<632x128xf32, #tpu.memory_space<vmem_shared>>
      tpu.enqueue_dma source(%dma_start3A_13 : memref<632x128xf32, #tpu.memory_space<vmem_shared>>) target(%dma_start3A_11 : memref<632x128xf32, #tpu.memory_space<hbm>>) target_semaphore(%run_scoped3A : memref<!tpu.dma_semaphore, #tpu.memory_space<semaphore_mem>>)
      %dma_wait3A = arith.constant 0 : i32
      %dma_wait3A_14 = tpu.memref_slice %arg7[%arg0, %multiple_of3A, %dma_wait3A] : memref<2x10112x128xf32, #tpu.memory_space<hbm>> -> memref<1x632x128xf32, #tpu.memory_space<hbm>>
      %dma_wait3A_15 = tpu.memref_squeeze %dma_wait3A_14 : memref<1x632x128xf32, #tpu.memory_space<hbm>> -> memref<632x128xf32, #tpu.memory_space<hbm>>
      %dma_wait3A_16 = arith.constant 0 : i32
      %dma_wait3A_17 = tpu.memref_slice %arg11[%multiple_of3A, %dma_wait3A_16] : memref<10112x128xf32, #tpu.memory_space<vmem_shared>> -> memref<632x128xf32, #tpu.memory_space<vmem_shared>>
      tpu.wait_dma2 semaphore(%run_scoped3A : memref<!tpu.dma_semaphore, #tpu.memory_space<semaphore_mem>>) src(%dma_wait3A_17 : memref<632x128xf32, #tpu.memory_space<vmem_shared>>) dst(%dma_wait3A_15 : memref<632x128xf32, #tpu.memory_space<hbm>>)
      tpu.yield
    }) : () -> ()
    return
  }
}

module attributes {stable_mosaic.version = 14 : i64} {
  func.func @_proj_body(%arg0: memref<10000x128xf32, #tpu.memory_space<vmem>>, %arg1: memref<128x128xf32, #tpu.memory_space<vmem>>, %arg2: memref<128x128xf32, #tpu.memory_space<vmem>>, %arg3: memref<10000x128xf32, #tpu.memory_space<vmem>>, %arg4: memref<10000x128xf32, #tpu.memory_space<vmem>>) attributes {dimension_semantics = [], scalar_prefetch = 0 : i64, scratch_operands = 0 : i64, tpu.core_type = #tpu.core_type<tc>} {
    %get3A = arith.constant 0 : index
    %get3A_0 = arith.constant 0 : index
    %get3A_1 = vector.load %arg0[%get3A, %get3A_0] : memref<10000x128xf32, #tpu.memory_space<vmem>>, vector<10000x128xf32>
    %get3A_2 = arith.constant 0 : index
    %get3A_3 = arith.constant 0 : index
    %get3A_4 = vector.load %arg1[%get3A_2, %get3A_3] : memref<128x128xf32, #tpu.memory_space<vmem>>, vector<128x128xf32>
    %dot_general3A = arith.constant dense<0.000000e+00> : vector<10000x128xf32>
    %dot_general3A_5 = tpu.matmul %get3A_1, %get3A_4, %dot_general3A {dimension_numbers = #tpu.dot_dimension_numbers<[1], [0], [0], [1], [0, 0, 1, 1], [], []>, transpose_lhs_hint = false} : vector<10000x128xf32>, vector<128x128xf32>, vector<10000x128xf32> -> vector<10000x128xf32>
    %swap3A = arith.constant 0 : index
    %swap3A_6 = arith.constant 0 : index
    %swap3A_7 = vector.load %arg3[%swap3A, %swap3A_6] : memref<10000x128xf32, #tpu.memory_space<vmem>>, vector<10000x128xf32>
    tpu.vector_store %arg3[%swap3A, %swap3A_6], %dot_general3A_5 {strides = array<i32>} : memref<10000x128xf32, #tpu.memory_space<vmem>>, vector<10000x128xf32>,
    %get3A_8 = arith.constant 0 : index
    %get3A_9 = arith.constant 0 : index
    %get3A_10 = vector.load %arg2[%get3A_8, %get3A_9] : memref<128x128xf32, #tpu.memory_space<vmem>>, vector<128x128xf32>
    %dot_general3A_11 = arith.constant dense<0.000000e+00> : vector<10000x128xf32>
    %dot_general3A_12 = tpu.matmul %get3A_1, %get3A_10, %dot_general3A_11 {dimension_numbers = #tpu.dot_dimension_numbers<[1], [0], [0], [1], [0, 0, 1, 1], [], []>, transpose_lhs_hint = false} : vector<10000x128xf32>, vector<128x128xf32>, vector<10000x128xf32> -> vector<10000x128xf32>
    %swap3A_13 = arith.constant 0 : index
    %swap3A_14 = arith.constant 0 : index
    %swap3A_15 = vector.load %arg4[%swap3A_13, %swap3A_14] : memref<10000x128xf32, #tpu.memory_space<vmem>>, vector<10000x128xf32>
    tpu.vector_store %arg4[%swap3A_13, %swap3A_14], %dot_general3A_12 {strides = array<i32>} : memref<10000x128xf32, #tpu.memory_space<vmem>>, vector<10000x128xf32>,
    return
  }
}

module attributes {stable_mosaic.version = 14 : i64} {
  func.func @_diff_body(%arg0: i32, %arg1: memref<2x1264x16xf32, #tpu.memory_space<vmem>>, %arg2: memref<2x1264x16xf32, #tpu.memory_space<vmem>>, %arg3: memref<1264x16xf32, #tpu.memory_space<vmem>>) attributes {dimension_semantics = [#tpu.dimension_semantics<arbitrary>], iteration_bounds = array<i64: 8>, scalar_prefetch = 0 : i64, scratch_operands = 0 : i64, tpu.core_type = #tpu.core_type<tc>, window_params = [{transform_indices = @transform_0, window_bounds = array<i64: 2, 1264, 16>}, {transform_indices = @transform_1, window_bounds = array<i64: 2, 1264, 16>}, {transform_indices = @transform_2, window_bounds = array<i64: 1264, 16>}]} {
    %get3A = arith.constant 0 : index
    %get3A_0 = arith.constant 0 : index
    %get3A_1 = arith.constant 0 : index
    %get3A_2 = vector.load %arg1[%get3A, %get3A_0, %get3A_1] : memref<2x1264x16xf32, #tpu.memory_space<vmem>>, vector<1x1264x16xf32>
    %get3A_3 = vector.shape_cast %get3A_2 : vector<1x1264x16xf32> to vector<1264x16xf32>
    %get3A_4 = arith.constant 0 : index
    %get3A_5 = arith.constant 0 : index
    %get3A_6 = arith.constant 0 : index
    %get3A_7 = vector.load %arg2[%get3A_4, %get3A_5, %get3A_6] : memref<2x1264x16xf32, #tpu.memory_space<vmem>>, vector<1x1264x16xf32>
    %get3A_8 = vector.shape_cast %get3A_7 : vector<1x1264x16xf32> to vector<1264x16xf32>
    %sub3A = arith.subf %get3A_3, %get3A_8 : vector<1264x16xf32>
    %get3A_9 = arith.constant 1 : index
    %get3A_10 = arith.constant 0 : index
    %get3A_11 = arith.constant 0 : index
    %get3A_12 = vector.load %arg1[%get3A_9, %get3A_10, %get3A_11] : memref<2x1264x16xf32, #tpu.memory_space<vmem>>, vector<1x1264x16xf32>
    %get3A_13 = vector.shape_cast %get3A_12 : vector<1x1264x16xf32> to vector<1264x16xf32>
    %get3A_14 = arith.constant 1 : index
    %get3A_15 = arith.constant 0 : index
    %get3A_16 = arith.constant 0 : index
    %get3A_17 = vector.load %arg2[%get3A_14, %get3A_15, %get3A_16] : memref<2x1264x16xf32, #tpu.memory_space<vmem>>, vector<1x1264x16xf32>
    %get3A_18 = vector.shape_cast %get3A_17 : vector<1x1264x16xf32> to vector<1264x16xf32>
    %sub3A_19 = arith.subf %get3A_13, %get3A_18 : vector<1264x16xf32>
    %add3A = arith.addf %sub3A, %sub3A_19 : vector<1264x16xf32>
    %swap3A = arith.constant 0 : index
    %swap3A_20 = arith.constant 0 : index
    %swap3A_21 = vector.load %arg3[%swap3A, %swap3A_20] : memref<1264x16xf32, #tpu.memory_space<vmem>>, vector<1264x16xf32>
    tpu.vector_store %arg3[%swap3A, %swap3A_20], %add3A {strides = array<i32>} : memref<1264x16xf32, #tpu.memory_space<vmem>>, vector<1264x16xf32>,
    return
  }
  func.func @transform_0(%arg0: i32) -> (i32, i32, i32) {
    %c0_i32 = arith.constant 0 : i32
    %c0_i32_0 = arith.constant 0 : i32
    %c0_i32_1 = arith.constant 0 : i32
    return %c0_i32, %arg0, %c0_i32_0 : i32, i32, i32
  }
  func.func @transform_1(%arg0: i32) -> (i32, i32, i32) {
    %c0_i32 = arith.constant 0 : i32
    %c0_i32_0 = arith.constant 0 : i32
    %c0_i32_1 = arith.constant 0 : i32
    return %c0_i32, %arg0, %c0_i32_0 : i32, i32, i32
  }
  func.func @transform_2(%arg0: i32) -> (i32, i32) {
    %c0_i32 = arith.constant 0 : i32
    %c0_i32_0 = arith.constant 0 : i32
    return %arg0, %c0_i32 : i32, i32
  }
}

module attributes {stable_mosaic.version = 14 : i64} {
  func.func @_diff_body(%arg0: i32, %arg1: memref<2x1264x128xf32, #tpu.memory_space<vmem>>, %arg2: memref<2x1264x128xf32, #tpu.memory_space<vmem>>, %arg3: memref<1264x128xf32, #tpu.memory_space<vmem>>) attributes {dimension_semantics = [#tpu.dimension_semantics<arbitrary>], iteration_bounds = array<i64: 8>, scalar_prefetch = 0 : i64, scratch_operands = 0 : i64, tpu.core_type = #tpu.core_type<tc>, window_params = [{transform_indices = @transform_0, window_bounds = array<i64: 2, 1264, 128>}, {transform_indices = @transform_1, window_bounds = array<i64: 2, 1264, 128>}, {transform_indices = @transform_2, window_bounds = array<i64: 1264, 128>}]} {
    %get3A = arith.constant 0 : index
    %get3A_0 = arith.constant 0 : index
    %get3A_1 = arith.constant 0 : index
    %get3A_2 = vector.load %arg1[%get3A, %get3A_0, %get3A_1] : memref<2x1264x128xf32, #tpu.memory_space<vmem>>, vector<1x1264x128xf32>
    %get3A_3 = vector.shape_cast %get3A_2 : vector<1x1264x128xf32> to vector<1264x128xf32>
    %get3A_4 = arith.constant 0 : index
    %get3A_5 = arith.constant 0 : index
    %get3A_6 = arith.constant 0 : index
    %get3A_7 = vector.load %arg2[%get3A_4, %get3A_5, %get3A_6] : memref<2x1264x128xf32, #tpu.memory_space<vmem>>, vector<1x1264x128xf32>
    %get3A_8 = vector.shape_cast %get3A_7 : vector<1x1264x128xf32> to vector<1264x128xf32>
    %sub3A = arith.subf %get3A_3, %get3A_8 : vector<1264x128xf32>
    %get3A_9 = arith.constant 1 : index
    %get3A_10 = arith.constant 0 : index
    %get3A_11 = arith.constant 0 : index
    %get3A_12 = vector.load %arg1[%get3A_9, %get3A_10, %get3A_11] : memref<2x1264x128xf32, #tpu.memory_space<vmem>>, vector<1x1264x128xf32>
    %get3A_13 = vector.shape_cast %get3A_12 : vector<1x1264x128xf32> to vector<1264x128xf32>
    %get3A_14 = arith.constant 1 : index
    %get3A_15 = arith.constant 0 : index
    %get3A_16 = arith.constant 0 : index
    %get3A_17 = vector.load %arg2[%get3A_14, %get3A_15, %get3A_16] : memref<2x1264x128xf32, #tpu.memory_space<vmem>>, vector<1x1264x128xf32>
    %get3A_18 = vector.shape_cast %get3A_17 : vector<1x1264x128xf32> to vector<1264x128xf32>
    %sub3A_19 = arith.subf %get3A_13, %get3A_18 : vector<1264x128xf32>
    %add3A = arith.addf %sub3A, %sub3A_19 : vector<1264x128xf32>
    %swap3A = arith.constant 0 : index
    %swap3A_20 = arith.constant 0 : index
    %swap3A_21 = vector.load %arg3[%swap3A, %swap3A_20] : memref<1264x128xf32, #tpu.memory_space<vmem>>, vector<1264x128xf32>
    tpu.vector_store %arg3[%swap3A, %swap3A_20], %add3A {strides = array<i32>} : memref<1264x128xf32, #tpu.memory_space<vmem>>, vector<1264x128xf32>,
    return
  }
  func.func @transform_0(%arg0: i32) -> (i32, i32, i32) {
    %c0_i32 = arith.constant 0 : i32
    %c0_i32_0 = arith.constant 0 : i32
    %c0_i32_1 = arith.constant 0 : i32
    return %c0_i32, %arg0, %c0_i32_0 : i32, i32, i32
  }
  func.func @transform_1(%arg0: i32) -> (i32, i32, i32) {
    %c0_i32 = arith.constant 0 : i32
    %c0_i32_0 = arith.constant 0 : i32
    %c0_i32_1 = arith.constant 0 : i32
    return %c0_i32, %arg0, %c0_i32_0 : i32, i32, i32
  }
  func.func @transform_2(%arg0: i32) -> (i32, i32) {
    %c0_i32 = arith.constant 0 : i32
    %c0_i32_0 = arith.constant 0 : i32
    return %arg0, %c0_i32 : i32, i32
  }
}

module attributes {stable_mosaic.version = 14 : i64} {
  func.func @_combine1_body(%arg0: memref<10000x128xf32, #tpu.memory_space<vmem>>, %arg1: memref<10000x16xf32, #tpu.memory_space<vmem>>, %arg2: memref<10000x128xf32, #tpu.memory_space<vmem>>, %arg3: memref<1x128xf32, #tpu.memory_space<vmem>>, %arg4: memref<1x128xf32, #tpu.memory_space<vmem>>, %arg5: memref<1x128xf32, #tpu.memory_space<vmem>>, %arg6: memref<128x128xf32, #tpu.memory_space<vmem>>, %arg7: memref<128x128xf32, #tpu.memory_space<vmem>>, %arg8: memref<10000x128xf32, #tpu.memory_space<vmem>>, %arg9: memref<10000x128xf32, #tpu.memory_space<vmem>>, %arg10: memref<10000x1xf32, #tpu.memory_space<vmem>>) attributes {dimension_semantics = [], scalar_prefetch = 0 : i64, scratch_operands = 0 : i64, tpu.core_type = #tpu.core_type<tc>} {
    %get3A = arith.constant 0 : index
    %get3A_0 = arith.constant 0 : index
    %get3A_1 = vector.load %arg1[%get3A, %get3A_0] : memref<10000x16xf32, #tpu.memory_space<vmem>>, vector<10000x1xf32>
    %max3A = arith.constant 1.000000e+00 : f32
    %max3A_2 = vector.broadcast %max3A : f32 to vector<10000x1xf32>
    %max3A_3 = arith.maximumf %get3A_1, %max3A_2 : vector<10000x1xf32>
    %div3A = arith.constant 1.000000e+00 : f32
    %div3A_4 = vector.broadcast %div3A : f32 to vector<10000x1xf32>
    %div3A_5 = arith.divf %div3A_4, %max3A_3 : vector<10000x1xf32>
    %get3A_6 = arith.constant 0 : index
    %get3A_7 = arith.constant 0 : index
    %get3A_8 = vector.load %arg0[%get3A_6, %get3A_7] : memref<10000x128xf32, #tpu.memory_space<vmem>>, vector<10000x128xf32>
    %mul3A = vector.broadcast %div3A_5 : vector<10000x1xf32> to vector<10000x128xf32>
    %mul3A_9 = arith.mulf %get3A_8, %mul3A : vector<10000x128xf32>
    %get3A_10 = arith.constant 0 : index
    %get3A_11 = arith.constant 0 : index
    %get3A_12 = vector.load %arg2[%get3A_10, %get3A_11] : memref<10000x128xf32, #tpu.memory_space<vmem>>, vector<10000x128xf32>
    %add3A = arith.addf %mul3A_9, %get3A_12 : vector<10000x128xf32>
    %get3A_13 = arith.constant 0 : index
    %get3A_14 = arith.constant 0 : index
    %get3A_15 = vector.load %arg3[%get3A_13, %get3A_14] : memref<1x128xf32, #tpu.memory_space<vmem>>, vector<1x128xf32>
    %add3A_16 = vector.broadcast %get3A_15 : vector<1x128xf32> to vector<10000x128xf32>
    %add3A_17 = arith.addf %add3A, %add3A_16 : vector<10000x128xf32>
    %reduce_sum3A = arith.constant dense<0.000000e+00> : vector<128xf32>
    %reduce_sum3A_18 = vector.multi_reduction <add>, %add3A_17, %reduce_sum3A [0] : vector<10000x128xf32> to vector<128xf32>
    %broadcast_in_dim3A = vector.shape_cast %reduce_sum3A_18 : vector<128xf32> to vector<1x128xf32>
    %div3A_19 = arith.constant 1.000000e+04 : f32
    %div3A_20 = vector.broadcast %div3A_19 : f32 to vector<1x128xf32>
    %div3A_21 = arith.divf %broadcast_in_dim3A, %div3A_20 : vector<1x128xf32>
    %sub3A = vector.broadcast %div3A_21 : vector<1x128xf32> to vector<10000x128xf32>
    %sub3A_22 = arith.subf %add3A_17, %sub3A : vector<10000x128xf32>
    %integer_pow3A = arith.mulf %sub3A_22, %sub3A_22 : vector<10000x128xf32>
    %reduce_sum3A_23 = arith.constant dense<0.000000e+00> : vector<128xf32>
    %reduce_sum3A_24 = vector.multi_reduction <add>, %integer_pow3A, %reduce_sum3A_23 [0] : vector<10000x128xf32> to vector<128xf32>
    %broadcast_in_dim3A_25 = vector.shape_cast %reduce_sum3A_24 : vector<128xf32> to vector<1x128xf32>
    %div3A_26 = arith.constant 1.000000e+04 : f32
    %div3A_27 = vector.broadcast %div3A_26 : f32 to vector<1x128xf32>
    %div3A_28 = arith.divf %broadcast_in_dim3A_25, %div3A_27 : vector<1x128xf32>
    %sub3A_29 = vector.broadcast %div3A_21 : vector<1x128xf32> to vector<10000x128xf32>
    %sub3A_30 = arith.subf %add3A_17, %sub3A_29 : vector<10000x128xf32>
    %add3A_31 = arith.constant 9.99999974E-6 : f32
    %add3A_32 = vector.broadcast %add3A_31 : f32 to vector<1x128xf32>
    %add3A_33 = arith.addf %div3A_28, %add3A_32 : vector<1x128xf32>
    %sqrt3A = math.sqrt %add3A_33 : vector<1x128xf32>
    %div3A_34 = vector.broadcast %sqrt3A : vector<1x128xf32> to vector<10000x128xf32>
    %div3A_35 = arith.divf %sub3A_30, %div3A_34 : vector<10000x128xf32>
    %get3A_36 = arith.constant 0 : index
    %get3A_37 = arith.constant 0 : index
    %get3A_38 = vector.load %arg4[%get3A_36, %get3A_37] : memref<1x128xf32, #tpu.memory_space<vmem>>, vector<1x128xf32>
    %mul3A_39 = vector.broadcast %get3A_38 : vector<1x128xf32> to vector<10000x128xf32>
    %mul3A_40 = arith.mulf %div3A_35, %mul3A_39 : vector<10000x128xf32>
    %get3A_41 = arith.constant 0 : index
    %get3A_42 = arith.constant 0 : index
    %get3A_43 = vector.load %arg5[%get3A_41, %get3A_42] : memref<1x128xf32, #tpu.memory_space<vmem>>, vector<1x128xf32>
    %add3A_44 = vector.broadcast %get3A_43 : vector<1x128xf32> to vector<10000x128xf32>
    %add3A_45 = arith.addf %mul3A_40, %add3A_44 : vector<10000x128xf32>
    %max3A_46 = arith.constant 0.000000e+00 : f32
    %max3A_47 = vector.broadcast %max3A_46 : f32 to vector<10000x128xf32>
    %max3A_48 = arith.maximumf %add3A_45, %max3A_47 : vector<10000x128xf32>
    %get3A_49 = arith.constant 0 : index
    %get3A_50 = arith.constant 0 : index
    %get3A_51 = vector.load %arg6[%get3A_49, %get3A_50] : memref<128x128xf32, #tpu.memory_space<vmem>>, vector<128x128xf32>
    %dot_general3A = arith.constant dense<0.000000e+00> : vector<10000x128xf32>
    %dot_general3A_52 = tpu.matmul %max3A_48, %get3A_51, %dot_general3A {dimension_numbers = #tpu.dot_dimension_numbers<[1], [0], [0], [1], [0, 0, 1, 1], [], []>, transpose_lhs_hint = false} : vector<10000x128xf32>, vector<128x128xf32>, vector<10000x128xf32> -> vector<10000x128xf32>
    %swap3A = arith.constant 0 : index
    %swap3A_53 = arith.constant 0 : index
    %swap3A_54 = vector.load %arg8[%swap3A, %swap3A_53] : memref<10000x128xf32, #tpu.memory_space<vmem>>, vector<10000x128xf32>
    tpu.vector_store %arg8[%swap3A, %swap3A_53], %dot_general3A_52 {strides = array<i32>} : memref<10000x128xf32, #tpu.memory_space<vmem>>, vector<10000x128xf32>,
    %get3A_55 = arith.constant 0 : index
    %get3A_56 = arith.constant 0 : index
    %get3A_57 = vector.load %arg7[%get3A_55, %get3A_56] : memref<128x128xf32, #tpu.memory_space<vmem>>, vector<128x128xf32>
    %dot_general3A_58 = arith.constant dense<0.000000e+00> : vector<10000x128xf32>
    %dot_general3A_59 = tpu.matmul %max3A_48, %get3A_57, %dot_general3A_58 {dimension_numbers = #tpu.dot_dimension_numbers<[1], [0], [0], [1], [0, 0, 1, 1], [], []>, transpose_lhs_hint = false} : vector<10000x128xf32>, vector<128x128xf32>, vector<10000x128xf32> -> vector<10000x128xf32>
    %swap3A_60 = arith.constant 0 : index
    %swap3A_61 = arith.constant 0 : index
    %swap3A_62 = vector.load %arg9[%swap3A_60, %swap3A_61] : memref<10000x128xf32, #tpu.memory_space<vmem>>, vector<10000x128xf32>
    tpu.vector_store %arg9[%swap3A_60, %swap3A_61], %dot_general3A_59 {strides = array<i32>} : memref<10000x128xf32, #tpu.memory_space<vmem>>, vector<10000x128xf32>,
    %swap3A_63 = arith.constant 0 : index
    %swap3A_64 = arith.constant 0 : index
    %swap3A_65 = vector.load %arg10[%swap3A_63, %swap3A_64] : memref<10000x1xf32, #tpu.memory_space<vmem>>, vector<10000x1xf32>
    tpu.vector_store %arg10[%swap3A_63, %swap3A_64], %div3A_5 {strides = array<i32>} : memref<10000x1xf32, #tpu.memory_space<vmem>>, vector<10000x1xf32>,
    return
  }
}

module attributes {stable_mosaic.version = 14 : i64} {
  func.func @_combine2_body(%arg0: memref<10000x128xf32, #tpu.memory_space<vmem>>, %arg1: memref<10000x1xf32, #tpu.memory_space<vmem>>, %arg2: memref<10000x128xf32, #tpu.memory_space<vmem>>, %arg3: memref<1x128xf32, #tpu.memory_space<vmem>>, %arg4: memref<1x128xf32, #tpu.memory_space<vmem>>, %arg5: memref<1x128xf32, #tpu.memory_space<vmem>>, %arg6: memref<128x1xf32, #tpu.memory_space<vmem>>, %arg7: memref<128x1xf32, #tpu.memory_space<vmem>>, %arg8: memref<10000x128xf32, #tpu.memory_space<vmem>>, %arg9: memref<10000x1xf32, #tpu.memory_space<vmem>>) attributes {dimension_semantics = [], scalar_prefetch = 0 : i64, scratch_operands = 0 : i64, tpu.core_type = #tpu.core_type<tc>} {
    %get3A = arith.constant 0 : index
    %get3A_0 = arith.constant 0 : index
    %get3A_1 = vector.load %arg1[%get3A, %get3A_0] : memref<10000x1xf32, #tpu.memory_space<vmem>>, vector<10000x1xf32>
    %get3A_2 = arith.constant 0 : index
    %get3A_3 = arith.constant 0 : index
    %get3A_4 = vector.load %arg0[%get3A_2, %get3A_3] : memref<10000x128xf32, #tpu.memory_space<vmem>>, vector<10000x128xf32>
    %mul3A = vector.broadcast %get3A_1 : vector<10000x1xf32> to vector<10000x128xf32>
    %mul3A_5 = arith.mulf %get3A_4, %mul3A : vector<10000x128xf32>
    %get3A_6 = arith.constant 0 : index
    %get3A_7 = arith.constant 0 : index
    %get3A_8 = vector.load %arg2[%get3A_6, %get3A_7] : memref<10000x128xf32, #tpu.memory_space<vmem>>, vector<10000x128xf32>
    %add3A = arith.addf %mul3A_5, %get3A_8 : vector<10000x128xf32>
    %get3A_9 = arith.constant 0 : index
    %get3A_10 = arith.constant 0 : index
    %get3A_11 = vector.load %arg3[%get3A_9, %get3A_10] : memref<1x128xf32, #tpu.memory_space<vmem>>, vector<1x128xf32>
    %add3A_12 = vector.broadcast %get3A_11 : vector<1x128xf32> to vector<10000x128xf32>
    %add3A_13 = arith.addf %add3A, %add3A_12 : vector<10000x128xf32>
    %reduce_sum3A = arith.constant dense<0.000000e+00> : vector<128xf32>
    %reduce_sum3A_14 = vector.multi_reduction <add>, %add3A_13, %reduce_sum3A [0] : vector<10000x128xf32> to vector<128xf32>
    %broadcast_in_dim3A = vector.shape_cast %reduce_sum3A_14 : vector<128xf32> to vector<1x128xf32>
    %div3A = arith.constant 1.000000e+04 : f32
    %div3A_15 = vector.broadcast %div3A : f32 to vector<1x128xf32>
    %div3A_16 = arith.divf %broadcast_in_dim3A, %div3A_15 : vector<1x128xf32>
    %sub3A = vector.broadcast %div3A_16 : vector<1x128xf32> to vector<10000x128xf32>
    %sub3A_17 = arith.subf %add3A_13, %sub3A : vector<10000x128xf32>
    %integer_pow3A = arith.mulf %sub3A_17, %sub3A_17 : vector<10000x128xf32>
    %reduce_sum3A_18 = arith.constant dense<0.000000e+00> : vector<128xf32>
    %reduce_sum3A_19 = vector.multi_reduction <add>, %integer_pow3A, %reduce_sum3A_18 [0] : vector<10000x128xf32> to vector<128xf32>
    %broadcast_in_dim3A_20 = vector.shape_cast %reduce_sum3A_19 : vector<128xf32> to vector<1x128xf32>
    %div3A_21 = arith.constant 1.000000e+04 : f32
    %div3A_22 = vector.broadcast %div3A_21 : f32 to vector<1x128xf32>
    %div3A_23 = arith.divf %broadcast_in_dim3A_20, %div3A_22 : vector<1x128xf32>
    %sub3A_24 = vector.broadcast %div3A_16 : vector<1x128xf32> to vector<10000x128xf32>
    %sub3A_25 = arith.subf %add3A_13, %sub3A_24 : vector<10000x128xf32>
    %add3A_26 = arith.constant 9.99999974E-6 : f32
    %add3A_27 = vector.broadcast %add3A_26 : f32 to vector<1x128xf32>
    %add3A_28 = arith.addf %div3A_23, %add3A_27 : vector<1x128xf32>
    %sqrt3A = math.sqrt %add3A_28 : vector<1x128xf32>
    %div3A_29 = vector.broadcast %sqrt3A : vector<1x128xf32> to vector<10000x128xf32>
    %div3A_30 = arith.divf %sub3A_25, %div3A_29 : vector<10000x128xf32>
    %get3A_31 = arith.constant 0 : index
    %get3A_32 = arith.constant 0 : index
    %get3A_33 = vector.load %arg4[%get3A_31, %get3A_32] : memref<1x128xf32, #tpu.memory_space<vmem>>, vector<1x128xf32>
    %mul3A_34 = vector.broadcast %get3A_33 : vector<1x128xf32> to vector<10000x128xf32>
    %mul3A_35 = arith.mulf %div3A_30, %mul3A_34 : vector<10000x128xf32>
    %get3A_36 = arith.constant 0 : index
    %get3A_37 = arith.constant 0 : index
    %get3A_38 = vector.load %arg5[%get3A_36, %get3A_37] : memref<1x128xf32, #tpu.memory_space<vmem>>, vector<1x128xf32>
    %add3A_39 = vector.broadcast %get3A_38 : vector<1x128xf32> to vector<10000x128xf32>
    %add3A_40 = arith.addf %mul3A_35, %add3A_39 : vector<10000x128xf32>
    %max3A = arith.constant 0.000000e+00 : f32
    %max3A_41 = vector.broadcast %max3A : f32 to vector<10000x128xf32>
    %max3A_42 = arith.maximumf %add3A_40, %max3A_41 : vector<10000x128xf32>
    %get3A_43 = arith.constant 0 : index
    %get3A_44 = arith.constant 0 : index
    %get3A_45 = vector.load %arg6[%get3A_43, %get3A_44] : memref<128x1xf32, #tpu.memory_space<vmem>>, vector<128x1xf32>
    %dot_general3A = arith.constant dense<0.000000e+00> : vector<10000x1xf32>
    %dot_general3A_46 = tpu.matmul %max3A_42, %get3A_45, %dot_general3A {dimension_numbers = #tpu.dot_dimension_numbers<[1], [0], [0], [1], [0, 0, 1, 1], [], []>, transpose_lhs_hint = false} : vector<10000x128xf32>, vector<128x1xf32>, vector<10000x1xf32> -> vector<10000x1xf32>
    %broadcast_in_dim3A_47 = vector.shape_cast %dot_general3A_46 : vector<10000x1xf32> to vector<10000x1xf32>
    %broadcast_in_dim3A_48 = vector.broadcast %broadcast_in_dim3A_47 : vector<10000x1xf32> to vector<10000x128xf32>
    %swap3A = arith.constant 0 : index
    %swap3A_49 = arith.constant 0 : index
    %swap3A_50 = vector.load %arg8[%swap3A, %swap3A_49] : memref<10000x128xf32, #tpu.memory_space<vmem>>, vector<10000x128xf32>
    tpu.vector_store %arg8[%swap3A, %swap3A_49], %broadcast_in_dim3A_48 {strides = array<i32>} : memref<10000x128xf32, #tpu.memory_space<vmem>>, vector<10000x128xf32>,
    %get3A_51 = arith.constant 0 : index
    %get3A_52 = arith.constant 0 : index
    %get3A_53 = vector.load %arg7[%get3A_51, %get3A_52] : memref<128x1xf32, #tpu.memory_space<vmem>>, vector<128x1xf32>
    %dot_general3A_54 = arith.constant dense<0.000000e+00> : vector<10000x1xf32>
    %dot_general3A_55 = tpu.matmul %max3A_42, %get3A_53, %dot_general3A_54 {dimension_numbers = #tpu.dot_dimension_numbers<[1], [0], [0], [1], [0, 0, 1, 1], [], []>, transpose_lhs_hint = false} : vector<10000x128xf32>, vector<128x1xf32>, vector<10000x1xf32> -> vector<10000x1xf32>
    %swap3A_56 = arith.constant 0 : index
    %swap3A_57 = arith.constant 0 : index
    %swap3A_58 = vector.load %arg9[%swap3A_56, %swap3A_57] : memref<10000x1xf32, #tpu.memory_space<vmem>>, vector<10000x1xf32>
    tpu.vector_store %arg9[%swap3A_56, %swap3A_57], %dot_general3A_55 {strides = array<i32>} : memref<10000x1xf32, #tpu.memory_space<vmem>>, vector<10000x1xf32>,
    return
  }
}

module attributes {stable_mosaic.version = 14 : i64} {
  func.func @_final_body(%arg0: memref<10000x128xf32, #tpu.memory_space<vmem>>, %arg1: memref<10000x1xf32, #tpu.memory_space<vmem>>, %arg2: memref<10000x1xf32, #tpu.memory_space<vmem>>, %arg3: memref<1x1xf32, #tpu.memory_space<vmem>>, %arg4: memref<10000x1xf32, #tpu.memory_space<vmem>>) attributes {dimension_semantics = [], scalar_prefetch = 0 : i64, scratch_operands = 0 : i64, tpu.core_type = #tpu.core_type<tc>} {
    %get3A = arith.constant 0 : index
    %get3A_0 = arith.constant 0 : index
    %get3A_1 = vector.load %arg0[%get3A, %get3A_0] : memref<10000x128xf32, #tpu.memory_space<vmem>>, vector<10000x1xf32>
    %get3A_2 = arith.constant 0 : index
    %get3A_3 = arith.constant 0 : index
    %get3A_4 = vector.load %arg1[%get3A_2, %get3A_3] : memref<10000x1xf32, #tpu.memory_space<vmem>>, vector<10000x1xf32>
    %mul3A = arith.mulf %get3A_1, %get3A_4 : vector<10000x1xf32>
    %get3A_5 = arith.constant 0 : index
    %get3A_6 = arith.constant 0 : index
    %get3A_7 = vector.load %arg2[%get3A_5, %get3A_6] : memref<10000x1xf32, #tpu.memory_space<vmem>>, vector<10000x1xf32>
    %add3A = arith.addf %mul3A, %get3A_7 : vector<10000x1xf32>
    %get3A_8 = arith.constant 0 : index
    %get3A_9 = arith.constant 0 : index
    %get3A_10 = vector.load %arg3[%get3A_8, %get3A_9] : memref<1x1xf32, #tpu.memory_space<vmem>>, vector<1x1xf32>
    %add3A_11 = vector.broadcast %get3A_10 : vector<1x1xf32> to vector<10000x1xf32>
    %add3A_12 = arith.addf %add3A, %add3A_11 : vector<10000x1xf32>
    %swap3A = arith.constant 0 : index
    %swap3A_13 = arith.constant 0 : index
    %swap3A_14 = vector.load %arg4[%swap3A, %swap3A_13] : memref<10000x1xf32, #tpu.memory_space<vmem>>, vector<10000x1xf32>
    tpu.vector_store %arg4[%swap3A, %swap3A_13], %add3A_12 {strides = array<i32>} : memref<10000x1xf32, #tpu.memory_space<vmem>>, vector<10000x1xf32>,
    return
  }
}

</mosaic_0001>

<sc_bundles>
// kernel: kernel.14.cloned.1.call-start
scs
__scs_entry_jumppad:
0x0: {  	(pc) =	sbr.rel $0x88, $3  }
0x1: {  	(tag) =	ssettag $0x0;
	lr =	simm.s32 $0x1  }
0x2: {  	[smem:$0x3F92] =	sst lr;
	_ =	strace $0xD0000000  }
0x3: {  	_ = 	snop  }
0x4: {  	_ = 	snop  }
0x5: {  	_ = 	snop  }
0x6: {  	_ = 	snop  }
0x7: {  	_ = 	snop  }
__scs_overlays_trampoline_lowered:
0x8: {  	[smem:$0x3FA1] =	sst s0  }
0x9: {  	[smem:$0x3FA2] =	sst s1  }
0xa: {  	[smem:$0x3FA3] =	sst s2  }
0xb: {  	[smem:$0x3FA4] =	sst s3  }
0xc: {  	[smem:$0x3FA5] =	sst s4  }
0xd: {  	[smem:$0x3FA6] =	sst s5  }
0xe: {  	[smem:$0x3FA7] =	sst s6  }
0xf: {  	[smem:$0x3FA8] =	sst s7  }
0x10: {  	[smem:$0x3FA9] =	sst s8  }
0x11: {  	[smem:$0x3FAA] =	sst s9;
	s0 =	simm.s32 @!p0 $0x0  }
0x12: {  	s1 =	sld [smem:$0x3F90];
	s0 =	simm.s32 @p0 $0x1  }
0x13: {  	[smem:$0x3FAB] =	sst s0;
	s0 =	simm.s32 @!p1 $0x0  }
0x14: {  	s2 =	sld [smem:$0x3F8F];
	s0 =	simm.s32 @p1 $0x1  }
0x15: {  	[smem:$0x3FAC] =	sst s0;
	s0 =	simm.s32 @!p2 $0x0  }
0x16: {  	s3 =	sld [smem:$0x3FDB];
	s0 =	simm.s32 @p2 $0x1  }
0x17: {  	s4 =	simm.s32 $0x1BF5;
	[smem:$0x3FAE] =	sst s0  }
0x18: {  	s0 =	sld [smem:$0x3F91];
	_ =	swait.ge [sflag:s4], $0x0  }
0x19: {  	s7 =	sld [smem:$0x3F92]  }
0x1a: {  	s8 =	sadd.s32 $0xFFFFE003, lr  }
0x1b: {  	s9 =	sadd.s32 $0xFFFFFEF7, lr;
	s5 =	simm.s32 $0xFFFFFFFF;
	p2 =	slt.u32 s8, $0xFFFFF086  }
0x1c: {  	p1 =	slt.u32 s9, $0xF7A;
	s5 =	simm.s32 @!p2 $0x0  }
0x1d: {  	s5 =	simm.s32 @p1 $0x1;
	p0 =	seq.s32 s7, s2  }
0x1e: {  	s7 =	smul.u32 @!p0 $0xF7A, s2;
	p2 =	seq.s32 @!p0 s5, $0x0  }
0x1f: {  	s9 =	smul.u32 $0xF7A, s1;
	s8 =	simm.s32 @!p0 $0x1BF5;
	p2 =	por !p2, p0  }
0x20: {  	[sflag:s8] =	ssyncset.s32 @!p0 $0xFFFFF086;
	s6 =	sadd.s32 @!p0 s3, s7;
	s7 =	simm.s32 @!p0 $0x108  }
0x21: {  	s3 =	sadd.s32 s3, s9;
	s6 =	sadd.s32 @!p0 $0x88, s6;
	s7 =	simm.s32 @p2 $0x1082  }
0x22: {  	[simem:s7], [sflag:s8] =	dma.local @!p0 [hbm:s6], $0xF7A  }
0x23: {  	s9 =	sor.u32 $0xD0000000, s2;
	s6 =	simm.s32 $0x108;
	_ =	swait.ge @!p0 [sflag:s8], $0x0  }
0x24: {  	s3 =	sadd.s32 $0x88, s3;
	s6 =	simm.s32 @!p1 $0x1082;
	[sflag:s4] =	ssyncset.s32 $0xFFFFF086  }
0x25: {  	[simem:s6], [sflag:s4] =	dma.local [hbm:s3], $0xF7A  }
0x26: {  	[smem:$0x3F92] =	sst s1;
	(tag) =	ssettag s2;
	_ =	strace s9  }
0x27: {  	s1 =	sld [smem:$0x3FA2]  }
0x28: {  	s2 =	sld [smem:$0x3FA3]  }
0x29: {  	s4 =	sld [smem:$0x3FA5]  }
0x2a: {  	p0 =	seq.s32 s5, $0x0;
	s5 =	sld [smem:$0x3FA6]  }
0x2b: {  	s6 =	sld [smem:$0x3FA7]  }
0x2c: {  	s7 =	sld [smem:$0x3FA8]  }
0x2d: {  	s3 =	simm.s32 $0x108;
	s8 =	sld [smem:$0x3FA9]  }
0x2e: {  	s3 =	simm.s32 @!p0 $0x1082;
	s9 =	sld [smem:$0x3FAA]  }
0x2f: {  	lr =	sadd.s32 s0, s3;
	s0 =	sld [smem:$0x3FA1]  }
0x30: {  	s3 =	sld [smem:$0x3FA4]  }
0x31: {  	[smem:$0x3FAD] =	sst s10  }
0x32: {  	s10 =	sld [smem:$0x3FAB];
	_ =	sdelay $0x3  }
0x33: {  	p0 =	seq.s32 s10, $0x1;
	s10 =	sld [smem:$0x3FAD];
	_ =	sdelay $0x3  }
0x34: {  	[smem:$0x3FAD] =	sst s10  }
0x35: {  	s10 =	sld [smem:$0x3FAC];
	_ =	sdelay $0x3  }
0x36: {  	p1 =	seq.s32 s10, $0x1;
	s10 =	sld [smem:$0x3FAD];
	_ =	sdelay $0x3  }
0x37: {  	[smem:$0x3FAD] =	sst s10  }
0x38: {  	s10 =	sld [smem:$0x3FAE]  }
0x39: {  	_ = 	snop;
	(pc) =	sbr.ind lr, $3  }
0x3a: {  	_ = 	snop  }
0x3b: {  	_ = 	snop  }
0x3c: {  	p2 =	seq.s32 s10, $0x1;
	s10 =	sld [smem:$0x3FAD]  }
0x3d: {  	_ =	shalt  }
0x3e: {  	_ =	shalt  }
0x3f: {  	_ =	shalt  }
0x40: {  	_ =	shalt  }
0x41: {  	_ =	shalt  }
0x42: {  	_ =	shalt  }
0x43: {  	_ =	shalt  }
0x44: {  	_ =	shalt  }
0x45: {  	_ =	shalt  }
0x46: {  	_ =	shalt  }
0x47: {  	_ =	shalt  }
0x48: {  	_ =	shalt  }
0x49: {  	_ =	shalt  }
0x4a: {  	_ =	shalt  }
0x4b: {  	_ =	shalt  }
0x4c: {  	_ =	shalt  }
0x4d: {  	_ =	shalt  }
0x4e: {  	_ =	shalt  }
0x4f: {  	_ =	shalt  }
0x50: {  	_ =	shalt  }
0x51: {  	_ =	shalt  }
0x52: {  	_ =	shalt  }
0x53: {  	_ =	shalt  }
0x54: {  	_ =	shalt  }
0x55: {  	_ =	shalt  }
0x56: {  	_ =	shalt  }
0x57: {  	_ =	shalt  }
0x58: {  	_ =	shalt  }
0x59: {  	_ =	shalt  }
0x5a: {  	_ =	shalt  }
0x5b: {  	_ =	shalt  }
0x5c: {  	_ =	shalt  }
0x5d: {  	_ =	shalt  }
0x5e: {  	_ =	shalt  }
0x5f: {  	_ =	shalt  }
0x60: {  	_ =	shalt  }
0x61: {  	_ =	shalt  }
0x62: {  	_ =	shalt  }
0x63: {  	_ =	shalt  }
0x64: {  	_ =	shalt  }
0x65: {  	_ =	shalt  }
0x66: {  	_ =	shalt  }
0x67: {  	_ =	shalt  }
0x68: {  	_ =	shalt  }
0x69: {  	_ =	shalt  }
0x6a: {  	_ =	shalt  }
0x6b: {  	_ =	shalt  }
0x6c: {  	_ =	shalt  }
0x6d: {  	_ =	shalt  }
0x6e: {  	_ =	shalt  }
0x6f: {  	_ =	shalt  }
0x70: {  	_ =	shalt  }
0x71: {  	_ =	shalt  }
0x72: {  	_ =	shalt  }
0x73: {  	_ =	shalt  }
0x74: {  	_ =	shalt  }
0x75: {  	_ =	shalt  }
0x76: {  	_ =	shalt  }
0x77: {  	_ =	shalt  }
0x78: {  	_ =	shalt  }
0x79: {  	_ =	shalt  }
0x7a: {  	_ =	shalt  }
0x7b: {  	_ =	shalt  }
0x7c: {  	_ =	shalt  }
0x7d: {  	_ =	shalt  }
0x7e: {  	_ =	shalt  }
0x7f: {  	_ =	shalt  }
0x80: {  	_ =	shalt  }
0x81: {  	_ =	shalt  }
0x82: {  	_ =	shalt  }
0x83: {  	_ =	shalt  }
0x84: {  	_ =	shalt  }
0x85: {  	_ =	shalt  }
0x86: {  	_ =	shalt  }
0x87: {  	_ =	shalt  }
.Lfunc_end0:
.L_simem_size_0:
called_computation_lowered:
.L_overlay_start_0:
0x88: {  	s2 =	sld [smem:$0x3FD9]  }
0x89: {  	s3 =	sld [smem:$0x3FFE];
	_ =	sdelay $0x1  }
0x8a: {  	s1 =	srdreg.scid  }
0x8b: {  	s0 =	sand.u32 $0x1, s1  }
0x8c: {  	s16 =	sshll.u32 s0, $0xA;
	s2 =	sadd.s32 s3, s2  }
0x8d: {  	s2 =	sadd.s32 s2, s16  }
0x8e: {  	[smem:$0x3FB9] =	sst s2  }
0x8f: {  	_ = 	snop  }
0x90: {  	(tm) =	ssettm $0x1  }
0x91: {  	s17 =	sld [smem:$0x3FFB];
	_ =	sdelay $0x3  }
0x92: {  	_ =	strace s17  }
0x93: {  	s2 =	sld [smem:$0x3FFC];
	_ =	sdelay $0x3  }
0x94: {  	_ =	strace s2  }
0x95: {  	s2 =	sld [smem:$0x3FFD];
	_ =	sdelay $0x3  }
0x96: {  	_ =	strace s2  }
0x97: {  	_ =	strace $0x8FFFFFFF  }
0x98: {  	s18 =	sld [smem:$0x3FDB];
	_ =	sdelay $0x1  }
0x99: {  	s19 =	simm.s32 $_scs_section_size  }
0x9a: {  	s4 =	simm.s32 $_size__tile_overlayer_lowered;
	s5 =	simm.s32 $_tile_overlayer_lowered  }
0x9b: {  	s22 =	simm.s32 $0x1BFF;
	s21 =	sshll.u32 s5, $0x1;
	s2 =	sadd.s32 s19, s18  }
0x9c: {  	s6 =	simm.s32 $0x0;
	s20 =	sshll.u32 s4, $0x1;
	s4 =	sadd.s32 s21, s2  }
0x9d: {  	[timem:s6], [sflag:s22] =	dma.local [hbm:s4], s20  }
0x9e: {  	_ =	swait.ge [sflag:s22], s20  }
0x9f: {  	s3 =	ssub.s32 $0x0, s20;
	[sflag:s22] =	ssyncset.done $0x0  }
0xa0: {  	[sflag:s22] =	ssyncadd.s32 s3;
	_ =	sdelay $0x1  }
0xa1: {  	s23 =	simm.s32 $0x1B8B  }
0xa2: {  	_ =	swait.ge [sflag:s23], $0x1  }
0xa3: {  	[sflag:s23] =	ssyncset.done $0x0  }
0xa4: {  	s25 =	simm.s32 $0x1B8E;
	s24 =	sld [smem:$0x3FFE];
	[sflag:s23] =	ssyncadd.s32 $0xFFFFFFFF  }
0xa5: {  	s26 =	simm.s32 $execute0_lowered;
	[smem:$0x3FD2] =	sst s25  }
0xa6: {  	s4 =	sshll.u32 s26, $0x1;
	_ =	strace $0x80000046;
	[dreg:$0x1] =	wrdreg $0xFFFFFFFF  }
0xa7: {  	s28 =	simm.s32 $_size_execute0_lowered;
	s2 =	sadd.s32 s2, s4;
	[dreg:$0x0] =	wrdreg $0x0  }
0xa8: {  	s4 =	sshll.u32 s28, $0x1;
	[dreg:$0x2] =	wrdreg s2  }
0xa9: {  	[dreg:$0x3] =	wrdreg s4  }
0xaa: {  	[dreg:$0x4] =	wrdreg $0xC0  }
0xab: {  	_ =	task [dreg:s6], $0x5FFFF  }
0xac: {  	[dreg:$0x1] =	wrdreg $0xFFFFFFFF  }
0xad: {  	[dreg:$0x0] =	wrdreg $0x60  }
0xae: {  	[dreg:$0x2] =	wrdreg s24  }
0xaf: {  	[dreg:$0x3] =	wrdreg $0x40800  }
0xb0: {  	[dreg:$0x4] =	wrdreg $0x9  }
0xb1: {  	_ =	task.clear_ibuf [dreg:s6], $0x5FFFF;
	_ =	strace $0x90000046  }
0xb2: {  	s29 =	simm.s32 $0x9;
	_ =	strace $0x80000048  }
0xb3: {  	_ =	swait.ge [sflag:s29], $0x1  }
0xb4: {  	[sflag:s29] =	ssyncadd.s32 $0xFFFFFFFF  }
0xb5: {  	_ =	strace $0x90000048  }
0xb6: {  	_ =	sfence  }
0xb7: {  	s30 =	sld [smem:$0x0];
	_ =	sdelay $0x2  }
0xb8: {  	s31 =	sshll.u32 s1, $0xD;
	s1 =	sshrl.u32 s1, $0x2  }
0xb9: {  	s3 =	sand.u32 $0x4000, s31;
	s1 =	sadd.s32 s1, s30  }
0xba: {  	s0 =	sor.u32 s3, s0;
	s1 =	sshll.u32 s1, $0x11  }
0xbb: {  	s0 =	sor.u32 s1, s0  }
0xbc: {  	s0 =	sadd.s32 $0x8F2B, s0  }
0xbd: {  	[sflag:s0] =	ssyncadd.remote.s32 $0x1  }
0xbe: {  	_ =	sfence.sel $0xFFFF  }
0xbf: {  	[dreg:$0x0] =	wrdreg $0xFFFFFFFF;
	(pc) =	sbr.abs _section_cstart, $3  }
0xc0: {  	[dreg:$0x1] =	wrdreg $0xFFFFFFFF  }
0xc1: {  	_ =	task.clear_ibuf [dreg:s6], $0x2FFFF;
	_ =	strace $0x9FFFFFFF  }
0xc2: {  	(tm) =	ssettm $0x7FFFFFFF  }
0xc3: {  	_ =	shalt  }
tec
execute0_lowered:
.L_overlay_start_1:
0x0: {  	(tag) =	ssettag $0x1  }
0x1: {  	s5 =	rddreg [dreg:$0x0]  }
0x2: {  	s0 =	stileid.u32;
	s1 =	srdreg.scid  }
0x3: {  	s2 =	rddreg [dreg:$0x1];
	s4 =	smul.u32 $0x9E0, s0  }
0x4: {  	s3 =	simm.s32 $0x0;
	s13 =	simm.s32 $0x0;
	s8 =	smul.u32 $0x13C00, s0  }
0x5: {  	s6 =	sand.u32 $0x1, s1;
	s1 =	rddreg [dreg:$0x2];
	s10 =	smul.u32 $0x4F000, s0  }
0x6: {  	[smem:$0x7FF] =	sst s3;
	s31 =	sshll.u32 s0, $0x6;
	s7 =	smul.u32 $0x13C000, s6  }
0x7: {  	_ =	strace $0x80000047;
	s30 =	ssub.s32 $0x2, s6;
	s6 =	smul.u32 $0x4F0, s6  }
0x8: {  	s9 =	sadd.s32 s4, s5;
	s4 =	sadd.s32 $0xF600, s5;
	s11 =	sshrl.u32 s30, $0x1  }
0x9: {  	s10 =	sshrl.u32 s10, $0x2;
	s7 =	sadd.s32 s8, s7;
	s8 =	ssub.s32 s30, s11  }
0xa: {  	s12 =	sadd.s32 s10, s2;
	s9 =	sadd.s32 s6, s9;
	s7 =	sshrl.u32 s7, $0x3  }
0xb: {  	s10 =	simm.s32 $0x1;
	s11 =	sor.u32 $0x1C01, s31;
	s7 =	sadd.s32 s7, s5  }
0xc: {  	s12 =	sshrl.u32 s12, $0x3;
	s5 =	sadd.s32 $0x5EE00, s7;
	s6 =	sadd.s32 $0xFE00, s7  }
0xd: {  	s7 =	smax.u32 s8, $0x1;
	s8 =	sadd.s32 $0x5800, s9;
	s9 =	simm.s32 $0x80  }
.LBB2_1:
0xe: {  	[tilespmem:s9], [sflag:$0x1] =	stream.linear.gather [hbm4b:s4+s3], $0x4000, $0x38;
	[tilespmem:$0x6800] =	vst v63  }
0xf: {  	_ =	swait.ge [sflag:s10], $0x4000  }
0x10: {  	[sflag:s10] =	ssyncset.done $0x0  }
0x11: {  	[sflag:s10] =	ssyncadd.s32 $0xFFFFC000  }
0x12: {  	[hbm:s5], [sflag:s11] =	dma.local [spmem:s12], $0x2780  }
0x13: {  	_ =	swait.ge [sflag:s10], $0x2780  }
0x14: {  	[sflag:s10] =	ssyncset.done $0x0  }
0x15: {  	[sflag:s10] =	ssyncadd.s32 $0xFFFFD880  }
0x16: {  	s14 =	sadd.s32 $0x0, s8;
	[bflag:$0x0] =	sbarrier.arrive $0xFFFF  }
0x17: {  	[tilespmem:s3], [sflag:$0x1] =	stream.linear.gather [hbm4b:s14+s3], $0x80, $0x38;
	[tilespmem:$0x6800] =	vst v63  }
0x18: {  	_ =	swait.ge [sflag:s10], $0x80  }
0x19: {  	[sflag:s10] =	ssyncset.done $0x0  }
0x1a: {  	[sflag:s10] =	ssyncadd.s32 $0xFFFFFF80  }
0x1b: {  	[spmem:s2] =	stream.indirect.scatter.add.f32 [tilespmem:s9], [sflag:$0x1], $0x10, s3, s9, $0xb8;
	[tilespmem:$0x6800] =	vst v63  }
0x1c: {  	_ =	swait.ge [sflag:s10], $0x800  }
0x1d: {  	s15 =	simm.s32 $0x20;
	s14 =	simm.s32 $0x10;
	[sflag:s10] =	ssyncset.done $0x0  }
.LBB2_2:
0x1e: {  	s16 =	sadd.s32 s14, s8  }
0x1f: {  	[sflag:s10] =	ssyncadd.s32 $0xFFFFF800;
	s14 =	smov.u32 s15;
	s17 =	sadd.s32 $0x10, s15  }
0x20: {  	[tilespmem:s3], [sflag:$0x1] =	stream.linear.gather [hbm4b:s16+s3], $0x80, $0x38;
	[tilespmem:$0x6800] =	vst v63  }
0x21: {  	p0 =	sne.s32 s15, $0x4E0;
	_ =	swait.ge [sflag:s10], $0x80  }
.Ltmp0:
0x22: {  	[sflag:s10] =	ssyncset.done $0x0;
	(pc) =	sbr.rel @p0 .LBB2_2-.Ltmp0, $4  }
0x23: {  	[sflag:s10] =	ssyncadd.s32 $0xFFFFFF80  }
0x24: {  	[spmem:s2] =	stream.indirect.scatter.add.f32 [tilespmem:s9], [sflag:$0x1], $0x10, s3, s9, $0xb8;
	[tilespmem:$0x6800] =	vst v63  }
0x25: {  	_ =	swait.ge [sflag:s10], $0x800  }
0x26: {  	s15 =	smov.u32 s17;
	[sflag:s10] =	ssyncset.done $0x0  }
0x27: {  	s14 =	sadd.s32 s14, s8;
	[sflag:s10] =	ssyncadd.s32 $0xFFFFF800  }
0x28: {  	[tilespmem:s3], [sflag:$0x1] =	stream.linear.gather [hbm4b:s14+s3], $0x80, $0x38;
	[tilespmem:$0x6800] =	vst v63  }
0x29: {  	_ =	swait.ge [sflag:s10], $0x80  }
0x2a: {  	[sflag:s10] =	ssyncset.done $0x0  }
0x2b: {  	[sflag:s10] =	ssyncadd.s32 $0xFFFFFF80  }
0x2c: {  	[spmem:s2] =	stream.indirect.scatter.add.f32 [tilespmem:s9], [sflag:$0x1], $0x10, s3, s9, $0xb8;
	[tilespmem:$0x6800] =	vst v63  }
0x2d: {  	_ =	swait.ge [sflag:s10], $0x800  }
0x2e: {  	s13 =	sadd.s32 $0x1, s13;
	[sflag:s10] =	ssyncset.done $0x0  }
0x2f: {  	p0 =	sne.s32 s13, s7;
	[sflag:s10] =	ssyncadd.s32 $0xFFFFF800  }
.Ltmp1:
0x30: {  	[bflag:$0x0] =	sbarrier.arrive $0xFFFF;
	(pc) =	sbr.rel @p0 .LBB2_1-.Ltmp1, $4  }
0x31: {  	[hbm:s6], [sflag:s11] =	dma.local [spmem:s12], $0x2780  }
0x32: {  	_ =	swait.ge [sflag:s10], $0x2780  }
0x33: {  	[sflag:s10] =	ssyncset.done $0x0  }
0x34: {  	[sflag:s10] =	ssyncadd.s32 $0xFFFFD880  }
0x35: {  	_ =	sfence.sel $0x180000  }
0x36: {  	[bflag:$0x0] =	sbarrier.arrive $0xFFFF  }
0x37: {  	p0 =	sne.s32 s0, $0x0;
	_ =	strace $0x90000047  }
0x38: {  	s0 =	sadd.s32 @!p0 $0x100000, s1;
	[bflag:$0x2] =	sbarrier.arrive $0xFFFF  }
0x39: {  	[sflag:s0] =	ssyncadd.tile.s32 @!p0 $0x1;
	_ =	shalt  }
.Lfunc_end2:
_tile_overlayer_lowered:
.L_overlay_start_2:
0x3a: {  	(tag) =	ssettag $0x2  }
0x3b: {  	s0 =	rddreg [dreg:$0x0];
	s2 =	stileid.u32  }
0x3c: {  	s1 =	rddreg [dreg:$0x1];
	p0 =	sne.s32 s2, $0x0  }
0x3d: {  	s3 =	rddreg [dreg:$0x2];
	[bflag:$0x3] =	sbarrier.arrive $0xFFFF;
	s2 =	simm.s32 @!p0 $0x1C01  }
0x3e: {  	[timem:s3], [sflag:s2] =	dma.local @!p0 [hbm:s0], s1  }
0x3f: {  	s0 =	simm.s32 @!p0 $0x1  }
0x40: {  	_ =	swait.ge @!p0 [sflag:s0], s1  }
0x41: {  	s1 =	ssub.s32 @!p0 $0x0, s1;
	[sflag:s0] =	ssyncset.done @!p0 $0x0  }
0x42: {  	[sflag:s0] =	ssyncadd.s32 @!p0 s1  }
0x43: {  	[bflag:$0x3] =	sbarrier.arrive $0xFFFF  }
0x44: {  	_ =	shalt  }

// kernel: kernel.17.cloned.1.call-start
scs
__scs_entry_jumppad:
0x0: {  	(pc) =	sbr.rel $0x88, $3  }
0x1: {  	(tag) =	ssettag $0x0;
	lr =	simm.s32 $0x1  }
0x2: {  	[smem:$0x3F92] =	sst lr;
	_ =	strace $0xD0000000  }
0x3: {  	_ = 	snop  }
0x4: {  	_ = 	snop  }
0x5: {  	_ = 	snop  }
0x6: {  	_ = 	snop  }
0x7: {  	_ = 	snop  }
__scs_overlays_trampoline_lowered:
0x8: {  	[smem:$0x3FA1] =	sst s0  }
0x9: {  	[smem:$0x3FA2] =	sst s1  }
0xa: {  	[smem:$0x3FA3] =	sst s2  }
0xb: {  	[smem:$0x3FA4] =	sst s3  }
0xc: {  	[smem:$0x3FA5] =	sst s4  }
0xd: {  	[smem:$0x3FA6] =	sst s5  }
0xe: {  	[smem:$0x3FA7] =	sst s6  }
0xf: {  	[smem:$0x3FA8] =	sst s7  }
0x10: {  	[smem:$0x3FA9] =	sst s8  }
0x11: {  	[smem:$0x3FAA] =	sst s9;
	s0 =	simm.s32 @!p0 $0x0  }
0x12: {  	s1 =	sld [smem:$0x3F90];
	s0 =	simm.s32 @p0 $0x1  }
0x13: {  	[smem:$0x3FAB] =	sst s0;
	s0 =	simm.s32 @!p1 $0x0  }
0x14: {  	s2 =	sld [smem:$0x3F8F];
	s0 =	simm.s32 @p1 $0x1  }
0x15: {  	[smem:$0x3FAC] =	sst s0;
	s0 =	simm.s32 @!p2 $0x0  }
0x16: {  	s3 =	sld [smem:$0x3FDB];
	s0 =	simm.s32 @p2 $0x1  }
0x17: {  	s4 =	simm.s32 $0x1BF5;
	[smem:$0x3FAE] =	sst s0  }
0x18: {  	s0 =	sld [smem:$0x3F91];
	_ =	swait.ge [sflag:s4], $0x0  }
0x19: {  	s7 =	sld [smem:$0x3F92]  }
0x1a: {  	s8 =	sadd.s32 $0xFFFFE003, lr  }
0x1b: {  	s9 =	sadd.s32 $0xFFFFFEF7, lr;
	s5 =	simm.s32 $0xFFFFFFFF;
	p2 =	slt.u32 s8, $0xFFFFF086  }
0x1c: {  	p1 =	slt.u32 s9, $0xF7A;
	s5 =	simm.s32 @!p2 $0x0  }
0x1d: {  	s5 =	simm.s32 @p1 $0x1;
	p0 =	seq.s32 s7, s2  }
0x1e: {  	s7 =	smul.u32 @!p0 $0xF7A, s2;
	p2 =	seq.s32 @!p0 s5, $0x0  }
0x1f: {  	s9 =	smul.u32 $0xF7A, s1;
	s8 =	simm.s32 @!p0 $0x1BF5;
	p2 =	por !p2, p0  }
0x20: {  	[sflag:s8] =	ssyncset.s32 @!p0 $0xFFFFF086;
	s6 =	sadd.s32 @!p0 s3, s7;
	s7 =	simm.s32 @!p0 $0x108  }
0x21: {  	s3 =	sadd.s32 s3, s9;
	s6 =	sadd.s32 @!p0 $0x88, s6;
	s7 =	simm.s32 @p2 $0x1082  }
0x22: {  	[simem:s7], [sflag:s8] =	dma.local @!p0 [hbm:s6], $0xF7A  }
0x23: {  	s9 =	sor.u32 $0xD0000000, s2;
	s6 =	simm.s32 $0x108;
	_ =	swait.ge @!p0 [sflag:s8], $0x0  }
0x24: {  	s3 =	sadd.s32 $0x88, s3;
	s6 =	simm.s32 @!p1 $0x1082;
	[sflag:s4] =	ssyncset.s32 $0xFFFFF086  }
0x25: {  	[simem:s6], [sflag:s4] =	dma.local [hbm:s3], $0xF7A  }
0x26: {  	[smem:$0x3F92] =	sst s1;
	(tag) =	ssettag s2;
	_ =	strace s9  }
0x27: {  	s1 =	sld [smem:$0x3FA2]  }
0x28: {  	s2 =	sld [smem:$0x3FA3]  }
0x29: {  	s4 =	sld [smem:$0x3FA5]  }
0x2a: {  	p0 =	seq.s32 s5, $0x0;
	s5 =	sld [smem:$0x3FA6]  }
0x2b: {  	s6 =	sld [smem:$0x3FA7]  }
0x2c: {  	s7 =	sld [smem:$0x3FA8]  }
0x2d: {  	s3 =	simm.s32 $0x108;
	s8 =	sld [smem:$0x3FA9]  }
0x2e: {  	s3 =	simm.s32 @!p0 $0x1082;
	s9 =	sld [smem:$0x3FAA]  }
0x2f: {  	lr =	sadd.s32 s0, s3;
	s0 =	sld [smem:$0x3FA1]  }
0x30: {  	s3 =	sld [smem:$0x3FA4]  }
0x31: {  	[smem:$0x3FAD] =	sst s10  }
0x32: {  	s10 =	sld [smem:$0x3FAB];
	_ =	sdelay $0x3  }
0x33: {  	p0 =	seq.s32 s10, $0x1;
	s10 =	sld [smem:$0x3FAD];
	_ =	sdelay $0x3  }
0x34: {  	[smem:$0x3FAD] =	sst s10  }
0x35: {  	s10 =	sld [smem:$0x3FAC];
	_ =	sdelay $0x3  }
0x36: {  	p1 =	seq.s32 s10, $0x1;
	s10 =	sld [smem:$0x3FAD];
	_ =	sdelay $0x3  }
0x37: {  	[smem:$0x3FAD] =	sst s10  }
0x38: {  	s10 =	sld [smem:$0x3FAE]  }
0x39: {  	_ = 	snop;
	(pc) =	sbr.ind lr, $3  }
0x3a: {  	_ = 	snop  }
0x3b: {  	_ = 	snop  }
0x3c: {  	p2 =	seq.s32 s10, $0x1;
	s10 =	sld [smem:$0x3FAD]  }
0x3d: {  	_ =	shalt  }
0x3e: {  	_ =	shalt  }
0x3f: {  	_ =	shalt  }
0x40: {  	_ =	shalt  }
0x41: {  	_ =	shalt  }
0x42: {  	_ =	shalt  }
0x43: {  	_ =	shalt  }
0x44: {  	_ =	shalt  }
0x45: {  	_ =	shalt  }
0x46: {  	_ =	shalt  }
0x47: {  	_ =	shalt  }
0x48: {  	_ =	shalt  }
0x49: {  	_ =	shalt  }
0x4a: {  	_ =	shalt  }
0x4b: {  	_ =	shalt  }
0x4c: {  	_ =	shalt  }
0x4d: {  	_ =	shalt  }
0x4e: {  	_ =	shalt  }
0x4f: {  	_ =	shalt  }
0x50: {  	_ =	shalt  }
0x51: {  	_ =	shalt  }
0x52: {  	_ =	shalt  }
0x53: {  	_ =	shalt  }
0x54: {  	_ =	shalt  }
0x55: {  	_ =	shalt  }
0x56: {  	_ =	shalt  }
0x57: {  	_ =	shalt  }
0x58: {  	_ =	shalt  }
0x59: {  	_ =	shalt  }
0x5a: {  	_ =	shalt  }
0x5b: {  	_ =	shalt  }
0x5c: {  	_ =	shalt  }
0x5d: {  	_ =	shalt  }
0x5e: {  	_ =	shalt  }
0x5f: {  	_ =	shalt  }
0x60: {  	_ =	shalt  }
0x61: {  	_ =	shalt  }
0x62: {  	_ =	shalt  }
0x63: {  	_ =	shalt  }
0x64: {  	_ =	shalt  }
0x65: {  	_ =	shalt  }
0x66: {  	_ =	shalt  }
0x67: {  	_ =	shalt  }
0x68: {  	_ =	shalt  }
0x69: {  	_ =	shalt  }
0x6a: {  	_ =	shalt  }
0x6b: {  	_ =	shalt  }
0x6c: {  	_ =	shalt  }
0x6d: {  	_ =	shalt  }
0x6e: {  	_ =	shalt  }
0x6f: {  	_ =	shalt  }
0x70: {  	_ =	shalt  }
0x71: {  	_ =	shalt  }
0x72: {  	_ =	shalt  }
0x73: {  	_ =	shalt  }
0x74: {  	_ =	shalt  }
0x75: {  	_ =	shalt  }
0x76: {  	_ =	shalt  }
0x77: {  	_ =	shalt  }
0x78: {  	_ =	shalt  }
0x79: {  	_ =	shalt  }
0x7a: {  	_ =	shalt  }
0x7b: {  	_ =	shalt  }
0x7c: {  	_ =	shalt  }
0x7d: {  	_ =	shalt  }
0x7e: {  	_ =	shalt  }
0x7f: {  	_ =	shalt  }
0x80: {  	_ =	shalt  }
0x81: {  	_ =	shalt  }
0x82: {  	_ =	shalt  }
0x83: {  	_ =	shalt  }
0x84: {  	_ =	shalt  }
0x85: {  	_ =	shalt  }
0x86: {  	_ =	shalt  }
0x87: {  	_ =	shalt  }
.Lfunc_end0:
.L_simem_size_0:
called_computation.1_lowered:
.L_overlay_start_0:
0x88: {  	s2 =	sld [smem:$0x3FD9]  }
0x89: {  	s3 =	sld [smem:$0x3FFE];
	_ =	sdelay $0x1  }
0x8a: {  	s1 =	srdreg.scid  }
0x8b: {  	s0 =	sand.u32 $0x1, s1  }
0x8c: {  	s16 =	sshll.u32 s0, $0xA;
	s2 =	sadd.s32 s3, s2  }
0x8d: {  	s2 =	sadd.s32 s2, s16  }
0x8e: {  	[smem:$0x3FB9] =	sst s2  }
0x8f: {  	_ = 	snop  }
0x90: {  	(tm) =	ssettm $0x1  }
0x91: {  	s17 =	sld [smem:$0x3FFB];
	_ =	sdelay $0x3  }
0x92: {  	_ =	strace s17  }
0x93: {  	s2 =	sld [smem:$0x3FFC];
	_ =	sdelay $0x3  }
0x94: {  	_ =	strace s2  }
0x95: {  	s2 =	sld [smem:$0x3FFD];
	_ =	sdelay $0x3  }
0x96: {  	_ =	strace s2  }
0x97: {  	_ =	strace $0x8FFFFFFF  }
0x98: {  	s18 =	sld [smem:$0x3FDB];
	_ =	sdelay $0x1  }
0x99: {  	s19 =	simm.s32 $_scs_section_size  }
0x9a: {  	s4 =	simm.s32 $_size__tile_overlayer_lowered;
	s5 =	simm.s32 $_tile_overlayer_lowered  }
0x9b: {  	s22 =	simm.s32 $0x1BFF;
	s21 =	sshll.u32 s5, $0x1;
	s2 =	sadd.s32 s19, s18  }
0x9c: {  	s6 =	simm.s32 $0x0;
	s20 =	sshll.u32 s4, $0x1;
	s4 =	sadd.s32 s21, s2  }
0x9d: {  	[timem:s6], [sflag:s22] =	dma.local [hbm:s4], s20  }
0x9e: {  	_ =	swait.ge [sflag:s22], s20  }
0x9f: {  	s3 =	ssub.s32 $0x0, s20;
	[sflag:s22] =	ssyncset.done $0x0  }
0xa0: {  	[sflag:s22] =	ssyncadd.s32 s3;
	_ =	sdelay $0x1  }
0xa1: {  	s23 =	simm.s32 $0x1B8B  }
0xa2: {  	_ =	swait.ge [sflag:s23], $0x1  }
0xa3: {  	[sflag:s23] =	ssyncset.done $0x0  }
0xa4: {  	s25 =	simm.s32 $0x1B8E;
	s24 =	sld [smem:$0x3FFE];
	[sflag:s23] =	ssyncadd.s32 $0xFFFFFFFF  }
0xa5: {  	s26 =	simm.s32 $execute0_lowered;
	[smem:$0x3FD2] =	sst s25  }
0xa6: {  	s4 =	sshll.u32 s26, $0x1;
	_ =	strace $0x80000049;
	[dreg:$0x1] =	wrdreg $0xFFFFFFFF  }
0xa7: {  	s28 =	simm.s32 $_size_execute0_lowered;
	s2 =	sadd.s32 s2, s4;
	[dreg:$0x0] =	wrdreg $0x0  }
0xa8: {  	s4 =	sshll.u32 s28, $0x1;
	[dreg:$0x2] =	wrdreg s2  }
0xa9: {  	[dreg:$0x3] =	wrdreg s4  }
0xaa: {  	[dreg:$0x4] =	wrdreg $0xC0  }
0xab: {  	_ =	task [dreg:s6], $0x5FFFF  }
0xac: {  	[dreg:$0x1] =	wrdreg $0xFFFFFFFF  }
0xad: {  	[dreg:$0x0] =	wrdreg $0x60  }
0xae: {  	[dreg:$0x2] =	wrdreg s24  }
0xaf: {  	[dreg:$0x3] =	wrdreg $0x41000  }
0xb0: {  	[dreg:$0x4] =	wrdreg $0x9  }
0xb1: {  	_ =	task.clear_ibuf [dreg:s6], $0x5FFFF;
	_ =	strace $0x90000049  }
0xb2: {  	s29 =	simm.s32 $0x9;
	_ =	strace $0x8000004B  }
0xb3: {  	_ =	swait.ge [sflag:s29], $0x1  }
0xb4: {  	[sflag:s29] =	ssyncadd.s32 $0xFFFFFFFF  }
0xb5: {  	_ =	strace $0x9000004B  }
0xb6: {  	_ =	sfence  }
0xb7: {  	s30 =	sld [smem:$0x0];
	_ =	sdelay $0x2  }
0xb8: {  	s31 =	sshll.u32 s1, $0xD;
	s1 =	sshrl.u32 s1, $0x2  }
0xb9: {  	s3 =	sand.u32 $0x4000, s31;
	s1 =	sadd.s32 s1, s30  }
0xba: {  	s0 =	sor.u32 s3, s0;
	s1 =	sshll.u32 s1, $0x11  }
0xbb: {  	s0 =	sor.u32 s1, s0  }
0xbc: {  	s0 =	sadd.s32 $0x8F2B, s0  }
0xbd: {  	[sflag:s0] =	ssyncadd.remote.s32 $0x1  }
0xbe: {  	_ =	sfence.sel $0xFFFF  }
0xbf: {  	[dreg:$0x0] =	wrdreg $0xFFFFFFFF;
	(pc) =	sbr.abs _section_cstart, $3  }
0xc0: {  	[dreg:$0x1] =	wrdreg $0xFFFFFFFF  }
0xc1: {  	_ =	task.clear_ibuf [dreg:s6], $0x2FFFF;
	_ =	strace $0x9FFFFFFF  }
0xc2: {  	(tm) =	ssettm $0x7FFFFFFF  }
0xc3: {  	_ =	shalt  }
tec
execute0_lowered:
.L_overlay_start_1:
0x0: {  	(tag) =	ssettag $0x1  }
0x1: {  	s5 =	rddreg [dreg:$0x0]  }
0x2: {  	s1 =	rddreg [dreg:$0x1]  }
0x3: {  	s2 =	srdreg.scid;
	s0 =	rddreg [dreg:$0x2];
	s3 =	simm.s32 $0x0  }
0x4: {  	s13 =	simm.s32 $0x80;
	s14 =	simm.s32 $0x100;
	s6 =	sand.u32 $0x1, s2  }
0x5: {  	s15 =	simm.s32 $0x1;
	s2 =	stileid.u32;
	s7 =	smul.u32 $0x13C000, s6  }
0x6: {  	s16 =	simm.s32 $0x0;
	[smem:$0x7FF] =	sst s3;
	s8 =	smul.u32 $0x13C00, s2  }
0x7: {  	s4 =	sadd.s32 $0xB7C00, s5;
	_ =	strace $0x8000004A;
	s9 =	smul.u32 $0x9E0, s2  }
0x8: {  	s28 =	ssub.s32 $0x2, s6;
	s10 =	smul.u32 $0x4F000, s2;
	s30 =	sshll.u32 s2, $0x6  }
0x9: {  	s11 =	smul.u32 $0x4F0, s6;
	s29 =	sshrl.u32 s28, $0x1;
	s6 =	sor.u32 $0x1C02, s30  }
0xa: {  	s7 =	sadd.s32 s8, s7;
	s9 =	sadd.s32 s9, s5;
	s10 =	sshrl.u32 s10, $0x2  }
0xb: {  	s8 =	ssub.s32 s28, s29;
	s7 =	sshrl.u32 s7, $0x3;
	s12 =	sadd.s32 s10, s1  }
0xc: {  	s31 =	sadd.s32 s11, s9;
	s8 =	smax.u32 s8, $0x1;
	s7 =	sadd.s32 s7, s5  }
0xd: {  	s9 =	sadd.s32 $0x5800, s31;
	s10 =	sadd.s32 $0xADE00, s31;
	s11 =	sshrl.u32 s12, $0x3  }
0xe: {  	s12 =	simm.s32 $0x2;
	s5 =	sadd.s32 $0x155000, s7;
	s7 =	sadd.s32 $0x106000, s7  }
.LBB2_1:
0xf: {  	[hbm:s5], [sflag:s6] =	dma.local [spmem:s11], $0x2780  }
0x10: {  	_ =	swait.ge [sflag:s12], $0x2780  }
0x11: {  	[sflag:s12] =	ssyncset.done $0x0  }
0x12: {  	[sflag:s12] =	ssyncadd.s32 $0xFFFFD880  }
0x13: {  	s17 =	sadd.s32 $0x0, s10;
	[bflag:$0x0] =	sbarrier.arrive $0xFFFF  }
0x14: {  	[tilespmem:s3], [sflag:$0x2] =	stream.linear.gather [hbm4b:s17+s3], $0x80, $0x38;
	[tilespmem:$0x17D00] =	vst v63  }
0x15: {  	_ =	swait.ge [sflag:s12], $0x80  }
0x16: {  	[sflag:s12] =	ssyncset.done $0x0  }
0x17: {  	s31 =	sadd.s32 $0x0, s9;
	[sflag:s12] =	ssyncadd.s32 $0xFFFFFF80  }
0x18: {  	[tilespmem:s13], [sflag:$0x2] =	stream.linear.gather [hbm4b:s31+s3], $0x80, $0x38;
	[tilespmem:$0x17D00] =	vst v63  }
0x19: {  	_ =	swait.ge [sflag:s12], $0x80  }
0x1a: {  	[sflag:s12] =	ssyncset.done $0x0  }
0x1b: {  	[sflag:s12] =	ssyncadd.s32 $0xFFFFFF80  }
0x1c: {  	[tilespmem:s14], [sflag:$0x1] =	stream.indirect.gather [hbm4b:s4+s13], $0x80, s3, s13, $0xb8;
	[tilespmem:$0x17D00] =	vst v63  }
0x1d: {  	_ =	swait.ge [sflag:s15], $0x4000  }
0x1e: {  	[sflag:s15] =	ssyncset.done $0x0  }
0x1f: {  	[sflag:s15] =	ssyncadd.s32 $0xFFFFC000  }
0x20: {  	[spmem:s1] =	stream.indirect.scatter.add.f32 [tilespmem:s14], [sflag:$0x2], $0x80, s13, s13, $0xb8;
	[tilespmem:$0x17D00] =	vst v63  }
0x21: {  	_ =	swait.ge [sflag:s12], $0x4000  }
0x22: {  	s18 =	simm.s32 $0x20;
	s17 =	simm.s32 $0x10;
	[sflag:s12] =	ssyncset.done $0x0  }
.LBB2_2:
0x23: {  	s19 =	sadd.s32 s17, s10  }
0x24: {  	[sflag:s12] =	ssyncadd.s32 $0xFFFFC000;
	s20 =	smov.u32 s18;
	s21 =	sadd.s32 $0x10, s18  }
0x25: {  	[tilespmem:s3], [sflag:$0x2] =	stream.linear.gather [hbm4b:s19+s3], $0x80, $0x38;
	[tilespmem:$0x17D00] =	vst v63  }
0x26: {  	p0 =	sne.s32 s18, $0x4E0;
	_ =	swait.ge [sflag:s12], $0x80  }
0x27: {  	[sflag:s12] =	ssyncset.done $0x0  }
0x28: {  	s18 =	sadd.s32 s17, s9;
	s17 =	smov.u32 s20;
	[sflag:s12] =	ssyncadd.s32 $0xFFFFFF80  }
0x29: {  	[tilespmem:s13], [sflag:$0x2] =	stream.linear.gather [hbm4b:s18+s3], $0x80, $0x38;
	[tilespmem:$0x17D00] =	vst v63  }
0x2a: {  	_ =	swait.ge [sflag:s12], $0x80  }
0x2b: {  	[sflag:s12] =	ssyncset.done $0x0  }
0x2c: {  	[sflag:s12] =	ssyncadd.s32 $0xFFFFFF80  }
0x2d: {  	[tilespmem:s14], [sflag:$0x1] =	stream.indirect.gather [hbm4b:s4+s13], $0x80, s3, s13, $0xb8;
	[tilespmem:$0x17D00] =	vst v63  }
0x2e: {  	_ =	swait.ge [sflag:s15], $0x4000  }
.Ltmp0:
0x2f: {  	[sflag:s15] =	ssyncset.done $0x0;
	(pc) =	sbr.rel @p0 .LBB2_2-.Ltmp0, $4  }
0x30: {  	[sflag:s15] =	ssyncadd.s32 $0xFFFFC000  }
0x31: {  	[spmem:s1] =	stream.indirect.scatter.add.f32 [tilespmem:s14], [sflag:$0x2], $0x80, s13, s13, $0xb8;
	[tilespmem:$0x17D00] =	vst v63  }
0x32: {  	_ =	swait.ge [sflag:s12], $0x4000  }
0x33: {  	s18 =	smov.u32 s21;
	[sflag:s12] =	ssyncset.done $0x0  }
0x34: {  	s18 =	sadd.s32 s17, s10;
	[sflag:s12] =	ssyncadd.s32 $0xFFFFC000  }
0x35: {  	[tilespmem:s3], [sflag:$0x2] =	stream.linear.gather [hbm4b:s18+s3], $0x80, $0x38;
	[tilespmem:$0x17D00] =	vst v63  }
0x36: {  	_ =	swait.ge [sflag:s12], $0x80  }
0x37: {  	[sflag:s12] =	ssyncset.done $0x0  }
0x38: {  	s31 =	sadd.s32 s17, s9;
	[sflag:s12] =	ssyncadd.s32 $0xFFFFFF80  }
0x39: {  	[tilespmem:s13], [sflag:$0x2] =	stream.linear.gather [hbm4b:s31+s3], $0x80, $0x38;
	[tilespmem:$0x17D00] =	vst v63  }
0x3a: {  	_ =	swait.ge [sflag:s12], $0x80  }
0x3b: {  	[sflag:s12] =	ssyncset.done $0x0  }
0x3c: {  	[sflag:s12] =	ssyncadd.s32 $0xFFFFFF80  }
0x3d: {  	[tilespmem:s14], [sflag:$0x1] =	stream.indirect.gather [hbm4b:s4+s13], $0x80, s3, s13, $0xb8;
	[tilespmem:$0x17D00] =	vst v63  }
0x3e: {  	_ =	swait.ge [sflag:s15], $0x4000  }
0x3f: {  	[sflag:s15] =	ssyncset.done $0x0  }
0x40: {  	[sflag:s15] =	ssyncadd.s32 $0xFFFFC000  }
0x41: {  	[spmem:s1] =	stream.indirect.scatter.add.f32 [tilespmem:s14], [sflag:$0x2], $0x80, s13, s13, $0xb8;
	[tilespmem:$0x17D00] =	vst v63  }
0x42: {  	_ =	swait.ge [sflag:s12], $0x4000  }
0x43: {  	s16 =	sadd.s32 $0x1, s16;
	[sflag:s12] =	ssyncset.done $0x0  }
0x44: {  	p0 =	sne.s32 s16, s8;
	[sflag:s12] =	ssyncadd.s32 $0xFFFFC000  }
.Ltmp1:
0x45: {  	[bflag:$0x0] =	sbarrier.arrive $0xFFFF;
	(pc) =	sbr.rel @p0 .LBB2_1-.Ltmp1, $4  }
0x46: {  	[hbm:s7], [sflag:s6] =	dma.local [spmem:s11], $0x2780  }
0x47: {  	_ =	swait.ge [sflag:s12], $0x2780  }
0x48: {  	[sflag:s12] =	ssyncset.done $0x0  }
0x49: {  	[sflag:s12] =	ssyncadd.s32 $0xFFFFD880  }
0x4a: {  	_ =	sfence.sel $0x180000  }
0x4b: {  	[bflag:$0x0] =	sbarrier.arrive $0xFFFF  }
0x4c: {  	p0 =	sne.s32 s2, $0x0;
	_ =	strace $0x9000004A  }
0x4d: {  	s0 =	sadd.s32 @!p0 $0x100000, s0;
	[bflag:$0x2] =	sbarrier.arrive $0xFFFF  }
0x4e: {  	[sflag:s0] =	ssyncadd.tile.s32 @!p0 $0x1;
	_ =	shalt  }
.Lfunc_end2:
_tile_overlayer_lowered:
.L_overlay_start_2:
0x4f: {  	(tag) =	ssettag $0x2  }
0x50: {  	s0 =	rddreg [dreg:$0x0];
	s2 =	stileid.u32  }
0x51: {  	s1 =	rddreg [dreg:$0x1];
	p0 =	sne.s32 s2, $0x0  }
0x52: {  	s3 =	rddreg [dreg:$0x2];
	[bflag:$0x3] =	sbarrier.arrive $0xFFFF;
	s2 =	simm.s32 @!p0 $0x1C02  }
0x53: {  	[timem:s3], [sflag:s2] =	dma.local @!p0 [hbm:s0], s1  }
0x54: {  	s0 =	simm.s32 @!p0 $0x2  }
0x55: {  	_ =	swait.ge @!p0 [sflag:s0], s1  }
0x56: {  	s1 =	ssub.s32 @!p0 $0x0, s1;
	[sflag:s0] =	ssyncset.done @!p0 $0x0  }
0x57: {  	[sflag:s0] =	ssyncadd.s32 @!p0 s1  }
0x58: {  	[bflag:$0x3] =	sbarrier.arrive $0xFFFF  }
0x59: {  	_ =	shalt  }

// kernel: kernel.20.cloned.1.call-start
scs
__scs_entry_jumppad:
0x0: {  	(pc) =	sbr.rel $0x88, $3  }
0x1: {  	(tag) =	ssettag $0x0;
	lr =	simm.s32 $0x1  }
0x2: {  	[smem:$0x3F92] =	sst lr;
	_ =	strace $0xD0000000  }
0x3: {  	_ = 	snop  }
0x4: {  	_ = 	snop  }
0x5: {  	_ = 	snop  }
0x6: {  	_ = 	snop  }
0x7: {  	_ = 	snop  }
__scs_overlays_trampoline_lowered:
0x8: {  	[smem:$0x3FA1] =	sst s0  }
0x9: {  	[smem:$0x3FA2] =	sst s1  }
0xa: {  	[smem:$0x3FA3] =	sst s2  }
0xb: {  	[smem:$0x3FA4] =	sst s3  }
0xc: {  	[smem:$0x3FA5] =	sst s4  }
0xd: {  	[smem:$0x3FA6] =	sst s5  }
0xe: {  	[smem:$0x3FA7] =	sst s6  }
0xf: {  	[smem:$0x3FA8] =	sst s7  }
0x10: {  	[smem:$0x3FA9] =	sst s8  }
0x11: {  	[smem:$0x3FAA] =	sst s9;
	s0 =	simm.s32 @!p0 $0x0  }
0x12: {  	s1 =	sld [smem:$0x3F90];
	s0 =	simm.s32 @p0 $0x1  }
0x13: {  	[smem:$0x3FAB] =	sst s0;
	s0 =	simm.s32 @!p1 $0x0  }
0x14: {  	s2 =	sld [smem:$0x3F8F];
	s0 =	simm.s32 @p1 $0x1  }
0x15: {  	[smem:$0x3FAC] =	sst s0;
	s0 =	simm.s32 @!p2 $0x0  }
0x16: {  	s3 =	sld [smem:$0x3FDB];
	s0 =	simm.s32 @p2 $0x1  }
0x17: {  	s4 =	simm.s32 $0x1BF5;
	[smem:$0x3FAE] =	sst s0  }
0x18: {  	s0 =	sld [smem:$0x3F91];
	_ =	swait.ge [sflag:s4], $0x0  }
0x19: {  	s7 =	sld [smem:$0x3F92]  }
0x1a: {  	s8 =	sadd.s32 $0xFFFFE003, lr  }
0x1b: {  	s9 =	sadd.s32 $0xFFFFFEF7, lr;
	s5 =	simm.s32 $0xFFFFFFFF;
	p2 =	slt.u32 s8, $0xFFFFF086  }
0x1c: {  	p1 =	slt.u32 s9, $0xF7A;
	s5 =	simm.s32 @!p2 $0x0  }
0x1d: {  	s5 =	simm.s32 @p1 $0x1;
	p0 =	seq.s32 s7, s2  }
0x1e: {  	s7 =	smul.u32 @!p0 $0xF7A, s2;
	p2 =	seq.s32 @!p0 s5, $0x0  }
0x1f: {  	s9 =	smul.u32 $0xF7A, s1;
	s8 =	simm.s32 @!p0 $0x1BF5;
	p2 =	por !p2, p0  }
0x20: {  	[sflag:s8] =	ssyncset.s32 @!p0 $0xFFFFF086;
	s6 =	sadd.s32 @!p0 s3, s7;
	s7 =	simm.s32 @!p0 $0x108  }
0x21: {  	s3 =	sadd.s32 s3, s9;
	s6 =	sadd.s32 @!p0 $0x88, s6;
	s7 =	simm.s32 @p2 $0x1082  }
0x22: {  	[simem:s7], [sflag:s8] =	dma.local @!p0 [hbm:s6], $0xF7A  }
0x23: {  	s9 =	sor.u32 $0xD0000000, s2;
	s6 =	simm.s32 $0x108;
	_ =	swait.ge @!p0 [sflag:s8], $0x0  }
0x24: {  	s3 =	sadd.s32 $0x88, s3;
	s6 =	simm.s32 @!p1 $0x1082;
	[sflag:s4] =	ssyncset.s32 $0xFFFFF086  }
0x25: {  	[simem:s6], [sflag:s4] =	dma.local [hbm:s3], $0xF7A  }
0x26: {  	[smem:$0x3F92] =	sst s1;
	(tag) =	ssettag s2;
	_ =	strace s9  }
0x27: {  	s1 =	sld [smem:$0x3FA2]  }
0x28: {  	s2 =	sld [smem:$0x3FA3]  }
0x29: {  	s4 =	sld [smem:$0x3FA5]  }
0x2a: {  	p0 =	seq.s32 s5, $0x0;
	s5 =	sld [smem:$0x3FA6]  }
0x2b: {  	s6 =	sld [smem:$0x3FA7]  }
0x2c: {  	s7 =	sld [smem:$0x3FA8]  }
0x2d: {  	s3 =	simm.s32 $0x108;
	s8 =	sld [smem:$0x3FA9]  }
0x2e: {  	s3 =	simm.s32 @!p0 $0x1082;
	s9 =	sld [smem:$0x3FAA]  }
0x2f: {  	lr =	sadd.s32 s0, s3;
	s0 =	sld [smem:$0x3FA1]  }
0x30: {  	s3 =	sld [smem:$0x3FA4]  }
0x31: {  	[smem:$0x3FAD] =	sst s10  }
0x32: {  	s10 =	sld [smem:$0x3FAB];
	_ =	sdelay $0x3  }
0x33: {  	p0 =	seq.s32 s10, $0x1;
	s10 =	sld [smem:$0x3FAD];
	_ =	sdelay $0x3  }
0x34: {  	[smem:$0x3FAD] =	sst s10  }
0x35: {  	s10 =	sld [smem:$0x3FAC];
	_ =	sdelay $0x3  }
0x36: {  	p1 =	seq.s32 s10, $0x1;
	s10 =	sld [smem:$0x3FAD];
	_ =	sdelay $0x3  }
0x37: {  	[smem:$0x3FAD] =	sst s10  }
0x38: {  	s10 =	sld [smem:$0x3FAE]  }
0x39: {  	_ = 	snop;
	(pc) =	sbr.ind lr, $3  }
0x3a: {  	_ = 	snop  }
0x3b: {  	_ = 	snop  }
0x3c: {  	p2 =	seq.s32 s10, $0x1;
	s10 =	sld [smem:$0x3FAD]  }
0x3d: {  	_ =	shalt  }
0x3e: {  	_ =	shalt  }
0x3f: {  	_ =	shalt  }
0x40: {  	_ =	shalt  }
0x41: {  	_ =	shalt  }
0x42: {  	_ =	shalt  }
0x43: {  	_ =	shalt  }
0x44: {  	_ =	shalt  }
0x45: {  	_ =	shalt  }
0x46: {  	_ =	shalt  }
0x47: {  	_ =	shalt  }
0x48: {  	_ =	shalt  }
0x49: {  	_ =	shalt  }
0x4a: {  	_ =	shalt  }
0x4b: {  	_ =	shalt  }
0x4c: {  	_ =	shalt  }
0x4d: {  	_ =	shalt  }
0x4e: {  	_ =	shalt  }
0x4f: {  	_ =	shalt  }
0x50: {  	_ =	shalt  }
0x51: {  	_ =	shalt  }
0x52: {  	_ =	shalt  }
0x53: {  	_ =	shalt  }
0x54: {  	_ =	shalt  }
0x55: {  	_ =	shalt  }
0x56: {  	_ =	shalt  }
0x57: {  	_ =	shalt  }
0x58: {  	_ =	shalt  }
0x59: {  	_ =	shalt  }
0x5a: {  	_ =	shalt  }
0x5b: {  	_ =	shalt  }
0x5c: {  	_ =	shalt  }
0x5d: {  	_ =	shalt  }
0x5e: {  	_ =	shalt  }
0x5f: {  	_ =	shalt  }
0x60: {  	_ =	shalt  }
0x61: {  	_ =	shalt  }
0x62: {  	_ =	shalt  }
0x63: {  	_ =	shalt  }
0x64: {  	_ =	shalt  }
0x65: {  	_ =	shalt  }
0x66: {  	_ =	shalt  }
0x67: {  	_ =	shalt  }
0x68: {  	_ =	shalt  }
0x69: {  	_ =	shalt  }
0x6a: {  	_ =	shalt  }
0x6b: {  	_ =	shalt  }
0x6c: {  	_ =	shalt  }
0x6d: {  	_ =	shalt  }
0x6e: {  	_ =	shalt  }
0x6f: {  	_ =	shalt  }
0x70: {  	_ =	shalt  }
0x71: {  	_ =	shalt  }
0x72: {  	_ =	shalt  }
0x73: {  	_ =	shalt  }
0x74: {  	_ =	shalt  }
0x75: {  	_ =	shalt  }
0x76: {  	_ =	shalt  }
0x77: {  	_ =	shalt  }
0x78: {  	_ =	shalt  }
0x79: {  	_ =	shalt  }
0x7a: {  	_ =	shalt  }
0x7b: {  	_ =	shalt  }
0x7c: {  	_ =	shalt  }
0x7d: {  	_ =	shalt  }
0x7e: {  	_ =	shalt  }
0x7f: {  	_ =	shalt  }
0x80: {  	_ =	shalt  }
0x81: {  	_ =	shalt  }
0x82: {  	_ =	shalt  }
0x83: {  	_ =	shalt  }
0x84: {  	_ =	shalt  }
0x85: {  	_ =	shalt  }
0x86: {  	_ =	shalt  }
0x87: {  	_ =	shalt  }
.Lfunc_end0:
.L_simem_size_0:
called_computation.2_lowered:
.L_overlay_start_0:
0x88: {  	s2 =	sld [smem:$0x3FD9]  }
0x89: {  	s3 =	sld [smem:$0x3FFE];
	_ =	sdelay $0x1  }
0x8a: {  	s1 =	srdreg.scid  }
0x8b: {  	s0 =	sand.u32 $0x1, s1  }
0x8c: {  	s16 =	sshll.u32 s0, $0xA;
	s2 =	sadd.s32 s3, s2  }
0x8d: {  	s2 =	sadd.s32 s2, s16  }
0x8e: {  	[smem:$0x3FB9] =	sst s2  }
0x8f: {  	_ = 	snop  }
0x90: {  	(tm) =	ssettm $0x1  }
0x91: {  	s17 =	sld [smem:$0x3FFB];
	_ =	sdelay $0x3  }
0x92: {  	_ =	strace s17  }
0x93: {  	s2 =	sld [smem:$0x3FFC];
	_ =	sdelay $0x3  }
0x94: {  	_ =	strace s2  }
0x95: {  	s2 =	sld [smem:$0x3FFD];
	_ =	sdelay $0x3  }
0x96: {  	_ =	strace s2  }
0x97: {  	_ =	strace $0x8FFFFFFF  }
0x98: {  	s18 =	sld [smem:$0x3FDB];
	_ =	sdelay $0x1  }
0x99: {  	s19 =	simm.s32 $_scs_section_size  }
0x9a: {  	s4 =	simm.s32 $_size__tile_overlayer_lowered;
	s5 =	simm.s32 $_tile_overlayer_lowered  }
0x9b: {  	s22 =	simm.s32 $0x1BFF;
	s21 =	sshll.u32 s5, $0x1;
	s2 =	sadd.s32 s19, s18  }
0x9c: {  	s6 =	simm.s32 $0x0;
	s20 =	sshll.u32 s4, $0x1;
	s4 =	sadd.s32 s21, s2  }
0x9d: {  	[timem:s6], [sflag:s22] =	dma.local [hbm:s4], s20  }
0x9e: {  	_ =	swait.ge [sflag:s22], s20  }
0x9f: {  	s3 =	ssub.s32 $0x0, s20;
	[sflag:s22] =	ssyncset.done $0x0  }
0xa0: {  	[sflag:s22] =	ssyncadd.s32 s3;
	_ =	sdelay $0x1  }
0xa1: {  	s23 =	simm.s32 $0x1B8B  }
0xa2: {  	_ =	swait.ge [sflag:s23], $0x1  }
0xa3: {  	[sflag:s23] =	ssyncset.done $0x0  }
0xa4: {  	s25 =	simm.s32 $0x1B8E;
	s24 =	sld [smem:$0x3FFE];
	[sflag:s23] =	ssyncadd.s32 $0xFFFFFFFF  }
0xa5: {  	s26 =	simm.s32 $execute0_lowered;
	[smem:$0x3FD2] =	sst s25  }
0xa6: {  	s4 =	sshll.u32 s26, $0x1;
	_ =	strace $0x8000004C;
	[dreg:$0x1] =	wrdreg $0xFFFFFFFF  }
0xa7: {  	s28 =	simm.s32 $_size_execute0_lowered;
	s2 =	sadd.s32 s2, s4;
	[dreg:$0x0] =	wrdreg $0x0  }
0xa8: {  	s4 =	sshll.u32 s28, $0x1;
	[dreg:$0x2] =	wrdreg s2  }
0xa9: {  	[dreg:$0x3] =	wrdreg s4  }
0xaa: {  	[dreg:$0x4] =	wrdreg $0xC0  }
0xab: {  	_ =	task [dreg:s6], $0x5FFFF  }
0xac: {  	[dreg:$0x1] =	wrdreg $0xFFFFFFFF  }
0xad: {  	[dreg:$0x0] =	wrdreg $0x60  }
0xae: {  	[dreg:$0x2] =	wrdreg s24  }
0xaf: {  	[dreg:$0x3] =	wrdreg $0x41000  }
0xb0: {  	[dreg:$0x4] =	wrdreg $0x9  }
0xb1: {  	_ =	task.clear_ibuf [dreg:s6], $0x5FFFF;
	_ =	strace $0x9000004C  }
0xb2: {  	s29 =	simm.s32 $0x9;
	_ =	strace $0x8000004E  }
0xb3: {  	_ =	swait.ge [sflag:s29], $0x1  }
0xb4: {  	[sflag:s29] =	ssyncadd.s32 $0xFFFFFFFF  }
0xb5: {  	_ =	strace $0x9000004E  }
0xb6: {  	_ =	sfence  }
0xb7: {  	s30 =	sld [smem:$0x0];
	_ =	sdelay $0x2  }
0xb8: {  	s31 =	sshll.u32 s1, $0xD;
	s1 =	sshrl.u32 s1, $0x2  }
0xb9: {  	s3 =	sand.u32 $0x4000, s31;
	s1 =	sadd.s32 s1, s30  }
0xba: {  	s0 =	sor.u32 s3, s0;
	s1 =	sshll.u32 s1, $0x11  }
0xbb: {  	s0 =	sor.u32 s1, s0  }
0xbc: {  	s0 =	sadd.s32 $0x8F2B, s0  }
0xbd: {  	[sflag:s0] =	ssyncadd.remote.s32 $0x1  }
0xbe: {  	_ =	sfence.sel $0xFFFF  }
0xbf: {  	[dreg:$0x0] =	wrdreg $0xFFFFFFFF;
	(pc) =	sbr.abs _section_cstart, $3  }
0xc0: {  	[dreg:$0x1] =	wrdreg $0xFFFFFFFF  }
0xc1: {  	_ =	task.clear_ibuf [dreg:s6], $0x2FFFF;
	_ =	strace $0x9FFFFFFF  }
0xc2: {  	(tm) =	ssettm $0x7FFFFFFF  }
0xc3: {  	_ =	shalt  }
tec
execute0_lowered:
.L_overlay_start_1:
0x0: {  	(tag) =	ssettag $0x1  }
0x1: {  	s5 =	rddreg [dreg:$0x0]  }
0x2: {  	s1 =	rddreg [dreg:$0x1]  }
0x3: {  	s2 =	srdreg.scid;
	s0 =	rddreg [dreg:$0x2];
	s3 =	simm.s32 $0x0  }
0x4: {  	s13 =	simm.s32 $0x80;
	s14 =	simm.s32 $0x100;
	s6 =	sand.u32 $0x1, s2  }
0x5: {  	s15 =	simm.s32 $0x1;
	s2 =	stileid.u32;
	s7 =	smul.u32 $0x13C000, s6  }
0x6: {  	s16 =	simm.s32 $0x0;
	[smem:$0x7FF] =	sst s3;
	s8 =	smul.u32 $0x13C00, s2  }
0x7: {  	s4 =	sadd.s32 $0xF600, s5;
	_ =	strace $0x8000004D;
	s9 =	smul.u32 $0x9E0, s2  }
0x8: {  	s28 =	ssub.s32 $0x2, s6;
	s10 =	smul.u32 $0x4F000, s2;
	s30 =	sshll.u32 s2, $0x6  }
0x9: {  	s11 =	smul.u32 $0x4F0, s6;
	s29 =	sshrl.u32 s28, $0x1;
	s6 =	sor.u32 $0x1C02, s30  }
0xa: {  	s7 =	sadd.s32 s8, s7;
	s9 =	sadd.s32 s9, s5;
	s10 =	sshrl.u32 s10, $0x2  }
0xb: {  	s8 =	ssub.s32 s28, s29;
	s7 =	sshrl.u32 s7, $0x3;
	s12 =	sadd.s32 s10, s1  }
0xc: {  	s31 =	sadd.s32 s11, s9;
	s8 =	smax.u32 s8, $0x1;
	s7 =	sadd.s32 s7, s5  }
0xd: {  	s9 =	sadd.s32 $0x5800, s31;
	s10 =	sadd.s32 $0xADE00, s31;
	s11 =	sshrl.u32 s12, $0x3  }
0xe: {  	s12 =	simm.s32 $0x2;
	s5 =	sadd.s32 $0xB7C00, s7;
	s7 =	sadd.s32 $0x5DA00, s7  }
.LBB2_1:
0xf: {  	[hbm:s5], [sflag:s6] =	dma.local [spmem:s11], $0x2780  }
0x10: {  	_ =	swait.ge [sflag:s12], $0x2780  }
0x11: {  	[sflag:s12] =	ssyncset.done $0x0  }
0x12: {  	[sflag:s12] =	ssyncadd.s32 $0xFFFFD880  }
0x13: {  	s17 =	sadd.s32 $0x0, s10;
	[bflag:$0x0] =	sbarrier.arrive $0xFFFF  }
0x14: {  	[tilespmem:s3], [sflag:$0x2] =	stream.linear.gather [hbm4b:s17+s3], $0x80, $0x38;
	[tilespmem:$0x17D00] =	vst v63  }
0x15: {  	_ =	swait.ge [sflag:s12], $0x80  }
0x16: {  	[sflag:s12] =	ssyncset.done $0x0  }
0x17: {  	s31 =	sadd.s32 $0x0, s9;
	[sflag:s12] =	ssyncadd.s32 $0xFFFFFF80  }
0x18: {  	[tilespmem:s13], [sflag:$0x2] =	stream.linear.gather [hbm4b:s31+s3], $0x80, $0x38;
	[tilespmem:$0x17D00] =	vst v63  }
0x19: {  	_ =	swait.ge [sflag:s12], $0x80  }
0x1a: {  	[sflag:s12] =	ssyncset.done $0x0  }
0x1b: {  	[sflag:s12] =	ssyncadd.s32 $0xFFFFFF80  }
0x1c: {  	[tilespmem:s14], [sflag:$0x1] =	stream.indirect.gather [hbm4b:s4+s13], $0x80, s3, s13, $0xb8;
	[tilespmem:$0x17D00] =	vst v63  }
0x1d: {  	_ =	swait.ge [sflag:s15], $0x4000  }
0x1e: {  	[sflag:s15] =	ssyncset.done $0x0  }
0x1f: {  	[sflag:s15] =	ssyncadd.s32 $0xFFFFC000  }
0x20: {  	[spmem:s1] =	stream.indirect.scatter.add.f32 [tilespmem:s14], [sflag:$0x2], $0x80, s13, s13, $0xb8;
	[tilespmem:$0x17D00] =	vst v63  }
0x21: {  	_ =	swait.ge [sflag:s12], $0x4000  }
0x22: {  	s18 =	simm.s32 $0x20;
	s17 =	simm.s32 $0x10;
	[sflag:s12] =	ssyncset.done $0x0  }
.LBB2_2:
0x23: {  	s19 =	sadd.s32 s17, s10  }
0x24: {  	[sflag:s12] =	ssyncadd.s32 $0xFFFFC000;
	s20 =	smov.u32 s18;
	s21 =	sadd.s32 $0x10, s18  }
0x25: {  	[tilespmem:s3], [sflag:$0x2] =	stream.linear.gather [hbm4b:s19+s3], $0x80, $0x38;
	[tilespmem:$0x17D00] =	vst v63  }
0x26: {  	p0 =	sne.s32 s18, $0x4E0;
	_ =	swait.ge [sflag:s12], $0x80  }
0x27: {  	[sflag:s12] =	ssyncset.done $0x0  }
0x28: {  	s18 =	sadd.s32 s17, s9;
	s17 =	smov.u32 s20;
	[sflag:s12] =	ssyncadd.s32 $0xFFFFFF80  }
0x29: {  	[tilespmem:s13], [sflag:$0x2] =	stream.linear.gather [hbm4b:s18+s3], $0x80, $0x38;
	[tilespmem:$0x17D00] =	vst v63  }
0x2a: {  	_ =	swait.ge [sflag:s12], $0x80  }
0x2b: {  	[sflag:s12] =	ssyncset.done $0x0  }
0x2c: {  	[sflag:s12] =	ssyncadd.s32 $0xFFFFFF80  }
0x2d: {  	[tilespmem:s14], [sflag:$0x1] =	stream.indirect.gather [hbm4b:s4+s13], $0x80, s3, s13, $0xb8;
	[tilespmem:$0x17D00] =	vst v63  }
0x2e: {  	_ =	swait.ge [sflag:s15], $0x4000  }
.Ltmp0:
0x2f: {  	[sflag:s15] =	ssyncset.done $0x0;
	(pc) =	sbr.rel @p0 .LBB2_2-.Ltmp0, $4  }
0x30: {  	[sflag:s15] =	ssyncadd.s32 $0xFFFFC000  }
0x31: {  	[spmem:s1] =	stream.indirect.scatter.add.f32 [tilespmem:s14], [sflag:$0x2], $0x80, s13, s13, $0xb8;
	[tilespmem:$0x17D00] =	vst v63  }
0x32: {  	_ =	swait.ge [sflag:s12], $0x4000  }
0x33: {  	s18 =	smov.u32 s21;
	[sflag:s12] =	ssyncset.done $0x0  }
0x34: {  	s18 =	sadd.s32 s17, s10;
	[sflag:s12] =	ssyncadd.s32 $0xFFFFC000  }
0x35: {  	[tilespmem:s3], [sflag:$0x2] =	stream.linear.gather [hbm4b:s18+s3], $0x80, $0x38;
	[tilespmem:$0x17D00] =	vst v63  }
0x36: {  	_ =	swait.ge [sflag:s12], $0x80  }
0x37: {  	[sflag:s12] =	ssyncset.done $0x0  }
0x38: {  	s31 =	sadd.s32 s17, s9;
	[sflag:s12] =	ssyncadd.s32 $0xFFFFFF80  }
0x39: {  	[tilespmem:s13], [sflag:$0x2] =	stream.linear.gather [hbm4b:s31+s3], $0x80, $0x38;
	[tilespmem:$0x17D00] =	vst v63  }
0x3a: {  	_ =	swait.ge [sflag:s12], $0x80  }
0x3b: {  	[sflag:s12] =	ssyncset.done $0x0  }
0x3c: {  	[sflag:s12] =	ssyncadd.s32 $0xFFFFFF80  }
0x3d: {  	[tilespmem:s14], [sflag:$0x1] =	stream.indirect.gather [hbm4b:s4+s13], $0x80, s3, s13, $0xb8;
	[tilespmem:$0x17D00] =	vst v63  }
0x3e: {  	_ =	swait.ge [sflag:s15], $0x4000  }
0x3f: {  	[sflag:s15] =	ssyncset.done $0x0  }
0x40: {  	[sflag:s15] =	ssyncadd.s32 $0xFFFFC000  }
0x41: {  	[spmem:s1] =	stream.indirect.scatter.add.f32 [tilespmem:s14], [sflag:$0x2], $0x80, s13, s13, $0xb8;
	[tilespmem:$0x17D00] =	vst v63  }
0x42: {  	_ =	swait.ge [sflag:s12], $0x4000  }
0x43: {  	s16 =	sadd.s32 $0x1, s16;
	[sflag:s12] =	ssyncset.done $0x0  }
0x44: {  	p0 =	sne.s32 s16, s8;
	[sflag:s12] =	ssyncadd.s32 $0xFFFFC000  }
.Ltmp1:
0x45: {  	[bflag:$0x0] =	sbarrier.arrive $0xFFFF;
	(pc) =	sbr.rel @p0 .LBB2_1-.Ltmp1, $4  }
0x46: {  	[hbm:s7], [sflag:s6] =	dma.local [spmem:s11], $0x2780  }
0x47: {  	_ =	swait.ge [sflag:s12], $0x2780  }
0x48: {  	[sflag:s12] =	ssyncset.done $0x0  }
0x49: {  	[sflag:s12] =	ssyncadd.s32 $0xFFFFD880  }
0x4a: {  	_ =	sfence.sel $0x180000  }
0x4b: {  	[bflag:$0x0] =	sbarrier.arrive $0xFFFF  }
0x4c: {  	p0 =	sne.s32 s2, $0x0;
	_ =	strace $0x9000004D  }
0x4d: {  	s0 =	sadd.s32 @!p0 $0x100000, s0;
	[bflag:$0x2] =	sbarrier.arrive $0xFFFF  }
0x4e: {  	[sflag:s0] =	ssyncadd.tile.s32 @!p0 $0x1;
	_ =	shalt  }
.Lfunc_end2:
_tile_overlayer_lowered:
.L_overlay_start_2:
0x4f: {  	(tag) =	ssettag $0x2  }
0x50: {  	s0 =	rddreg [dreg:$0x0];
	s2 =	stileid.u32  }
0x51: {  	s1 =	rddreg [dreg:$0x1];
	p0 =	sne.s32 s2, $0x0  }
0x52: {  	s3 =	rddreg [dreg:$0x2];
	[bflag:$0x3] =	sbarrier.arrive $0xFFFF;
	s2 =	simm.s32 @!p0 $0x1C02  }
0x53: {  	[timem:s3], [sflag:s2] =	dma.local @!p0 [hbm:s0], s1  }
0x54: {  	s0 =	simm.s32 @!p0 $0x2  }
0x55: {  	_ =	swait.ge @!p0 [sflag:s0], s1  }
0x56: {  	s1 =	ssub.s32 @!p0 $0x0, s1;
	[sflag:s0] =	ssyncset.done @!p0 $0x0  }
0x57: {  	[sflag:s0] =	ssyncadd.s32 @!p0 s1  }
0x58: {  	[bflag:$0x3] =	sbarrier.arrive $0xFFFF  }
0x59: {  	_ =	shalt  }

// kernel: kernel.23.cloned.1.call-start
scs
__scs_entry_jumppad:
0x0: {  	(pc) =	sbr.rel $0x88, $3  }
0x1: {  	(tag) =	ssettag $0x0;
	lr =	simm.s32 $0x1  }
0x2: {  	[smem:$0x3F92] =	sst lr;
	_ =	strace $0xD0000000  }
0x3: {  	_ = 	snop  }
0x4: {  	_ = 	snop  }
0x5: {  	_ = 	snop  }
0x6: {  	_ = 	snop  }
0x7: {  	_ = 	snop  }
__scs_overlays_trampoline_lowered:
0x8: {  	[smem:$0x3FA1] =	sst s0  }
0x9: {  	[smem:$0x3FA2] =	sst s1  }
0xa: {  	[smem:$0x3FA3] =	sst s2  }
0xb: {  	[smem:$0x3FA4] =	sst s3  }
0xc: {  	[smem:$0x3FA5] =	sst s4  }
0xd: {  	[smem:$0x3FA6] =	sst s5  }
0xe: {  	[smem:$0x3FA7] =	sst s6  }
0xf: {  	[smem:$0x3FA8] =	sst s7  }
0x10: {  	[smem:$0x3FA9] =	sst s8  }
0x11: {  	[smem:$0x3FAA] =	sst s9;
	s0 =	simm.s32 @!p0 $0x0  }
0x12: {  	s1 =	sld [smem:$0x3F90];
	s0 =	simm.s32 @p0 $0x1  }
0x13: {  	[smem:$0x3FAB] =	sst s0;
	s0 =	simm.s32 @!p1 $0x0  }
0x14: {  	s2 =	sld [smem:$0x3F8F];
	s0 =	simm.s32 @p1 $0x1  }
0x15: {  	[smem:$0x3FAC] =	sst s0;
	s0 =	simm.s32 @!p2 $0x0  }
0x16: {  	s3 =	sld [smem:$0x3FDB];
	s0 =	simm.s32 @p2 $0x1  }
0x17: {  	s4 =	simm.s32 $0x1BF5;
	[smem:$0x3FAE] =	sst s0  }
0x18: {  	s0 =	sld [smem:$0x3F91];
	_ =	swait.ge [sflag:s4], $0x0  }
0x19: {  	s7 =	sld [smem:$0x3F92]  }
0x1a: {  	s8 =	sadd.s32 $0xFFFFE003, lr  }
0x1b: {  	s9 =	sadd.s32 $0xFFFFFEF7, lr;
	s5 =	simm.s32 $0xFFFFFFFF;
	p2 =	slt.u32 s8, $0xFFFFF086  }
0x1c: {  	p1 =	slt.u32 s9, $0xF7A;
	s5 =	simm.s32 @!p2 $0x0  }
0x1d: {  	s5 =	simm.s32 @p1 $0x1;
	p0 =	seq.s32 s7, s2  }
0x1e: {  	s7 =	smul.u32 @!p0 $0xF7A, s2;
	p2 =	seq.s32 @!p0 s5, $0x0  }
0x1f: {  	s9 =	smul.u32 $0xF7A, s1;
	s8 =	simm.s32 @!p0 $0x1BF5;
	p2 =	por !p2, p0  }
0x20: {  	[sflag:s8] =	ssyncset.s32 @!p0 $0xFFFFF086;
	s6 =	sadd.s32 @!p0 s3, s7;
	s7 =	simm.s32 @!p0 $0x108  }
0x21: {  	s3 =	sadd.s32 s3, s9;
	s6 =	sadd.s32 @!p0 $0x88, s6;
	s7 =	simm.s32 @p2 $0x1082  }
0x22: {  	[simem:s7], [sflag:s8] =	dma.local @!p0 [hbm:s6], $0xF7A  }
0x23: {  	s9 =	sor.u32 $0xD0000000, s2;
	s6 =	simm.s32 $0x108;
	_ =	swait.ge @!p0 [sflag:s8], $0x0  }
0x24: {  	s3 =	sadd.s32 $0x88, s3;
	s6 =	simm.s32 @!p1 $0x1082;
	[sflag:s4] =	ssyncset.s32 $0xFFFFF086  }
0x25: {  	[simem:s6], [sflag:s4] =	dma.local [hbm:s3], $0xF7A  }
0x26: {  	[smem:$0x3F92] =	sst s1;
	(tag) =	ssettag s2;
	_ =	strace s9  }
0x27: {  	s1 =	sld [smem:$0x3FA2]  }
0x28: {  	s2 =	sld [smem:$0x3FA3]  }
0x29: {  	s4 =	sld [smem:$0x3FA5]  }
0x2a: {  	p0 =	seq.s32 s5, $0x0;
	s5 =	sld [smem:$0x3FA6]  }
0x2b: {  	s6 =	sld [smem:$0x3FA7]  }
0x2c: {  	s7 =	sld [smem:$0x3FA8]  }
0x2d: {  	s3 =	simm.s32 $0x108;
	s8 =	sld [smem:$0x3FA9]  }
0x2e: {  	s3 =	simm.s32 @!p0 $0x1082;
	s9 =	sld [smem:$0x3FAA]  }
0x2f: {  	lr =	sadd.s32 s0, s3;
	s0 =	sld [smem:$0x3FA1]  }
0x30: {  	s3 =	sld [smem:$0x3FA4]  }
0x31: {  	[smem:$0x3FAD] =	sst s10  }
0x32: {  	s10 =	sld [smem:$0x3FAB];
	_ =	sdelay $0x3  }
0x33: {  	p0 =	seq.s32 s10, $0x1;
	s10 =	sld [smem:$0x3FAD];
	_ =	sdelay $0x3  }
0x34: {  	[smem:$0x3FAD] =	sst s10  }
0x35: {  	s10 =	sld [smem:$0x3FAC];
	_ =	sdelay $0x3  }
0x36: {  	p1 =	seq.s32 s10, $0x1;
	s10 =	sld [smem:$0x3FAD];
	_ =	sdelay $0x3  }
0x37: {  	[smem:$0x3FAD] =	sst s10  }
0x38: {  	s10 =	sld [smem:$0x3FAE]  }
0x39: {  	_ = 	snop;
	(pc) =	sbr.ind lr, $3  }
0x3a: {  	_ = 	snop  }
0x3b: {  	_ = 	snop  }
0x3c: {  	p2 =	seq.s32 s10, $0x1;
	s10 =	sld [smem:$0x3FAD]  }
0x3d: {  	_ =	shalt  }
0x3e: {  	_ =	shalt  }
0x3f: {  	_ =	shalt  }
0x40: {  	_ =	shalt  }
0x41: {  	_ =	shalt  }
0x42: {  	_ =	shalt  }
0x43: {  	_ =	shalt  }
0x44: {  	_ =	shalt  }
0x45: {  	_ =	shalt  }
0x46: {  	_ =	shalt  }
0x47: {  	_ =	shalt  }
0x48: {  	_ =	shalt  }
0x49: {  	_ =	shalt  }
0x4a: {  	_ =	shalt  }
0x4b: {  	_ =	shalt  }
0x4c: {  	_ =	shalt  }
0x4d: {  	_ =	shalt  }
0x4e: {  	_ =	shalt  }
0x4f: {  	_ =	shalt  }
0x50: {  	_ =	shalt  }
0x51: {  	_ =	shalt  }
0x52: {  	_ =	shalt  }
0x53: {  	_ =	shalt  }
0x54: {  	_ =	shalt  }
0x55: {  	_ =	shalt  }
0x56: {  	_ =	shalt  }
0x57: {  	_ =	shalt  }
0x58: {  	_ =	shalt  }
0x59: {  	_ =	shalt  }
0x5a: {  	_ =	shalt  }
0x5b: {  	_ =	shalt  }
0x5c: {  	_ =	shalt  }
0x5d: {  	_ =	shalt  }
0x5e: {  	_ =	shalt  }
0x5f: {  	_ =	shalt  }
0x60: {  	_ =	shalt  }
0x61: {  	_ =	shalt  }
0x62: {  	_ =	shalt  }
0x63: {  	_ =	shalt  }
0x64: {  	_ =	shalt  }
0x65: {  	_ =	shalt  }
0x66: {  	_ =	shalt  }
0x67: {  	_ =	shalt  }
0x68: {  	_ =	shalt  }
0x69: {  	_ =	shalt  }
0x6a: {  	_ =	shalt  }
0x6b: {  	_ =	shalt  }
0x6c: {  	_ =	shalt  }
0x6d: {  	_ =	shalt  }
0x6e: {  	_ =	shalt  }
0x6f: {  	_ =	shalt  }
0x70: {  	_ =	shalt  }
0x71: {  	_ =	shalt  }
0x72: {  	_ =	shalt  }
0x73: {  	_ =	shalt  }
0x74: {  	_ =	shalt  }
0x75: {  	_ =	shalt  }
0x76: {  	_ =	shalt  }
0x77: {  	_ =	shalt  }
0x78: {  	_ =	shalt  }
0x79: {  	_ =	shalt  }
0x7a: {  	_ =	shalt  }
0x7b: {  	_ =	shalt  }
0x7c: {  	_ =	shalt  }
0x7d: {  	_ =	shalt  }
0x7e: {  	_ =	shalt  }
0x7f: {  	_ =	shalt  }
0x80: {  	_ =	shalt  }
0x81: {  	_ =	shalt  }
0x82: {  	_ =	shalt  }
0x83: {  	_ =	shalt  }
0x84: {  	_ =	shalt  }
0x85: {  	_ =	shalt  }
0x86: {  	_ =	shalt  }
0x87: {  	_ =	shalt  }
.Lfunc_end0:
.L_simem_size_0:
called_computation.3_lowered:
.L_overlay_start_0:
0x88: {  	s2 =	sld [smem:$0x3FD9]  }
0x89: {  	s3 =	sld [smem:$0x3FFE];
	_ =	sdelay $0x1  }
0x8a: {  	s1 =	srdreg.scid  }
0x8b: {  	s0 =	sand.u32 $0x1, s1  }
0x8c: {  	s16 =	sshll.u32 s0, $0xA;
	s2 =	sadd.s32 s3, s2  }
0x8d: {  	s2 =	sadd.s32 s2, s16  }
0x8e: {  	[smem:$0x3FB9] =	sst s2  }
0x8f: {  	_ = 	snop  }
0x90: {  	(tm) =	ssettm $0x1  }
0x91: {  	s17 =	sld [smem:$0x3FFB];
	_ =	sdelay $0x3  }
0x92: {  	_ =	strace s17  }
0x93: {  	s2 =	sld [smem:$0x3FFC];
	_ =	sdelay $0x3  }
0x94: {  	_ =	strace s2  }
0x95: {  	s2 =	sld [smem:$0x3FFD];
	_ =	sdelay $0x3  }
0x96: {  	_ =	strace s2  }
0x97: {  	_ =	strace $0x8FFFFFFF  }
0x98: {  	s18 =	sld [smem:$0x3FDB];
	_ =	sdelay $0x1  }
0x99: {  	s19 =	simm.s32 $_scs_section_size  }
0x9a: {  	s4 =	simm.s32 $_size__tile_overlayer_lowered;
	s5 =	simm.s32 $_tile_overlayer_lowered  }
0x9b: {  	s22 =	simm.s32 $0x1BFF;
	s21 =	sshll.u32 s5, $0x1;
	s2 =	sadd.s32 s19, s18  }
0x9c: {  	s6 =	simm.s32 $0x0;
	s20 =	sshll.u32 s4, $0x1;
	s4 =	sadd.s32 s21, s2  }
0x9d: {  	[timem:s6], [sflag:s22] =	dma.local [hbm:s4], s20  }
0x9e: {  	_ =	swait.ge [sflag:s22], s20  }
0x9f: {  	s3 =	ssub.s32 $0x0, s20;
	[sflag:s22] =	ssyncset.done $0x0  }
0xa0: {  	[sflag:s22] =	ssyncadd.s32 s3;
	_ =	sdelay $0x1  }
0xa1: {  	s23 =	simm.s32 $0x1B8B  }
0xa2: {  	_ =	swait.ge [sflag:s23], $0x1  }
0xa3: {  	[sflag:s23] =	ssyncset.done $0x0  }
0xa4: {  	s25 =	simm.s32 $0x1B8E;
	s24 =	sld [smem:$0x3FFE];
	[sflag:s23] =	ssyncadd.s32 $0xFFFFFFFF  }
0xa5: {  	s26 =	simm.s32 $execute0_lowered;
	[smem:$0x3FD2] =	sst s25  }
0xa6: {  	s4 =	sshll.u32 s26, $0x1;
	_ =	strace $0x8000004F;
	[dreg:$0x1] =	wrdreg $0xFFFFFFFF  }
0xa7: {  	s28 =	simm.s32 $_size_execute0_lowered;
	s2 =	sadd.s32 s2, s4;
	[dreg:$0x0] =	wrdreg $0x0  }
0xa8: {  	s4 =	sshll.u32 s28, $0x1;
	[dreg:$0x2] =	wrdreg s2  }
0xa9: {  	[dreg:$0x3] =	wrdreg s4  }
0xaa: {  	[dreg:$0x4] =	wrdreg $0xC0  }
0xab: {  	_ =	task [dreg:s6], $0x5FFFF  }
0xac: {  	[dreg:$0x1] =	wrdreg $0xFFFFFFFF  }
0xad: {  	[dreg:$0x0] =	wrdreg $0x60  }
0xae: {  	[dreg:$0x2] =	wrdreg s24  }
0xaf: {  	[dreg:$0x3] =	wrdreg $0x41000  }
0xb0: {  	[dreg:$0x4] =	wrdreg $0x9  }
0xb1: {  	_ =	task.clear_ibuf [dreg:s6], $0x5FFFF;
	_ =	strace $0x9000004F  }
0xb2: {  	s29 =	simm.s32 $0x9;
	_ =	strace $0x80000051  }
0xb3: {  	_ =	swait.ge [sflag:s29], $0x1  }
0xb4: {  	[sflag:s29] =	ssyncadd.s32 $0xFFFFFFFF  }
0xb5: {  	_ =	strace $0x90000051  }
0xb6: {  	_ =	sfence  }
0xb7: {  	s30 =	sld [smem:$0x0];
	_ =	sdelay $0x2  }
0xb8: {  	s31 =	sshll.u32 s1, $0xD;
	s1 =	sshrl.u32 s1, $0x2  }
0xb9: {  	s3 =	sand.u32 $0x4000, s31;
	s1 =	sadd.s32 s1, s30  }
0xba: {  	s0 =	sor.u32 s3, s0;
	s1 =	sshll.u32 s1, $0x11  }
0xbb: {  	s0 =	sor.u32 s1, s0  }
0xbc: {  	s0 =	sadd.s32 $0x8F2B, s0  }
0xbd: {  	[sflag:s0] =	ssyncadd.remote.s32 $0x1  }
0xbe: {  	_ =	sfence.sel $0xFFFF  }
0xbf: {  	[dreg:$0x0] =	wrdreg $0xFFFFFFFF;
	(pc) =	sbr.abs _section_cstart, $3  }
0xc0: {  	[dreg:$0x1] =	wrdreg $0xFFFFFFFF  }
0xc1: {  	_ =	task.clear_ibuf [dreg:s6], $0x2FFFF;
	_ =	strace $0x9FFFFFFF  }
0xc2: {  	(tm) =	ssettm $0x7FFFFFFF  }
0xc3: {  	_ =	shalt  }
tec
execute0_lowered:
.L_overlay_start_1:
0x0: {  	(tag) =	ssettag $0x1  }
0x1: {  	s5 =	rddreg [dreg:$0x0]  }
0x2: {  	s1 =	rddreg [dreg:$0x1]  }
0x3: {  	s2 =	srdreg.scid;
	s0 =	rddreg [dreg:$0x2];
	s3 =	simm.s32 $0x0  }
0x4: {  	s13 =	simm.s32 $0x80;
	s14 =	simm.s32 $0x100;
	s6 =	sand.u32 $0x1, s2  }
0x5: {  	s15 =	simm.s32 $0x1;
	s2 =	stileid.u32;
	s7 =	smul.u32 $0x13C000, s6  }
0x6: {  	s16 =	simm.s32 $0x0;
	[smem:$0x7FF] =	sst s3;
	s8 =	smul.u32 $0x13C00, s2  }
0x7: {  	s4 =	sadd.s32 $0xF600, s5;
	_ =	strace $0x80000050;
	s9 =	smul.u32 $0x9E0, s2  }
0x8: {  	s28 =	ssub.s32 $0x2, s6;
	s10 =	smul.u32 $0x4F000, s2;
	s30 =	sshll.u32 s2, $0x6  }
0x9: {  	s11 =	smul.u32 $0x4F0, s6;
	s29 =	sshrl.u32 s28, $0x1;
	s6 =	sor.u32 $0x1C02, s30  }
0xa: {  	s7 =	sadd.s32 s8, s7;
	s9 =	sadd.s32 s9, s5;
	s10 =	sshrl.u32 s10, $0x2  }
0xb: {  	s8 =	ssub.s32 s28, s29;
	s7 =	sshrl.u32 s7, $0x3;
	s12 =	sadd.s32 s10, s1  }
0xc: {  	s31 =	sadd.s32 s11, s9;
	s8 =	smax.u32 s8, $0x1;
	s7 =	sadd.s32 s7, s5  }
0xd: {  	s9 =	sadd.s32 $0x5800, s31;
	s10 =	sadd.s32 $0xADE00, s31;
	s11 =	sshrl.u32 s12, $0x3  }
0xe: {  	s12 =	simm.s32 $0x2;
	s5 =	sadd.s32 $0xB7C00, s7;
	s7 =	sadd.s32 $0x5DA00, s7  }
.LBB2_1:
0xf: {  	[hbm:s5], [sflag:s6] =	dma.local [spmem:s11], $0x2780  }
0x10: {  	_ =	swait.ge [sflag:s12], $0x2780  }
0x11: {  	[sflag:s12] =	ssyncset.done $0x0  }
0x12: {  	[sflag:s12] =	ssyncadd.s32 $0xFFFFD880  }
0x13: {  	s17 =	sadd.s32 $0x0, s10;
	[bflag:$0x0] =	sbarrier.arrive $0xFFFF  }
0x14: {  	[tilespmem:s3], [sflag:$0x2] =	stream.linear.gather [hbm4b:s17+s3], $0x80, $0x38;
	[tilespmem:$0x17D00] =	vst v63  }
0x15: {  	_ =	swait.ge [sflag:s12], $0x80  }
0x16: {  	[sflag:s12] =	ssyncset.done $0x0  }
0x17: {  	s31 =	sadd.s32 $0x0, s9;
	[sflag:s12] =	ssyncadd.s32 $0xFFFFFF80  }
0x18: {  	[tilespmem:s13], [sflag:$0x2] =	stream.linear.gather [hbm4b:s31+s3], $0x80, $0x38;
	[tilespmem:$0x17D00] =	vst v63  }
0x19: {  	_ =	swait.ge [sflag:s12], $0x80  }
0x1a: {  	[sflag:s12] =	ssyncset.done $0x0  }
0x1b: {  	[sflag:s12] =	ssyncadd.s32 $0xFFFFFF80  }
0x1c: {  	[tilespmem:s14], [sflag:$0x1] =	stream.indirect.gather [hbm4b:s4+s13], $0x80, s3, s13, $0xb8;
	[tilespmem:$0x17D00] =	vst v63  }
0x1d: {  	_ =	swait.ge [sflag:s15], $0x4000  }
0x1e: {  	[sflag:s15] =	ssyncset.done $0x0  }
0x1f: {  	[sflag:s15] =	ssyncadd.s32 $0xFFFFC000  }
0x20: {  	[spmem:s1] =	stream.indirect.scatter.add.f32 [tilespmem:s14], [sflag:$0x2], $0x80, s13, s13, $0xb8;
	[tilespmem:$0x17D00] =	vst v63  }
0x21: {  	_ =	swait.ge [sflag:s12], $0x4000  }
0x22: {  	s18 =	simm.s32 $0x20;
	s17 =	simm.s32 $0x10;
	[sflag:s12] =	ssyncset.done $0x0  }
.LBB2_2:
0x23: {  	s19 =	sadd.s32 s17, s10  }
0x24: {  	[sflag:s12] =	ssyncadd.s32 $0xFFFFC000;
	s20 =	smov.u32 s18;
	s21 =	sadd.s32 $0x10, s18  }
0x25: {  	[tilespmem:s3], [sflag:$0x2] =	stream.linear.gather [hbm4b:s19+s3], $0x80, $0x38;
	[tilespmem:$0x17D00] =	vst v63  }
0x26: {  	p0 =	sne.s32 s18, $0x4E0;
	_ =	swait.ge [sflag:s12], $0x80  }
0x27: {  	[sflag:s12] =	ssyncset.done $0x0  }
0x28: {  	s18 =	sadd.s32 s17, s9;
	s17 =	smov.u32 s20;
	[sflag:s12] =	ssyncadd.s32 $0xFFFFFF80  }
0x29: {  	[tilespmem:s13], [sflag:$0x2] =	stream.linear.gather [hbm4b:s18+s3], $0x80, $0x38;
	[tilespmem:$0x17D00] =	vst v63  }
0x2a: {  	_ =	swait.ge [sflag:s12], $0x80  }
0x2b: {  	[sflag:s12] =	ssyncset.done $0x0  }
0x2c: {  	[sflag:s12] =	ssyncadd.s32 $0xFFFFFF80  }
0x2d: {  	[tilespmem:s14], [sflag:$0x1] =	stream.indirect.gather [hbm4b:s4+s13], $0x80, s3, s13, $0xb8;
	[tilespmem:$0x17D00] =	vst v63  }
0x2e: {  	_ =	swait.ge [sflag:s15], $0x4000  }
.Ltmp0:
0x2f: {  	[sflag:s15] =	ssyncset.done $0x0;
	(pc) =	sbr.rel @p0 .LBB2_2-.Ltmp0, $4  }
0x30: {  	[sflag:s15] =	ssyncadd.s32 $0xFFFFC000  }
0x31: {  	[spmem:s1] =	stream.indirect.scatter.add.f32 [tilespmem:s14], [sflag:$0x2], $0x80, s13, s13, $0xb8;
	[tilespmem:$0x17D00] =	vst v63  }
0x32: {  	_ =	swait.ge [sflag:s12], $0x4000  }
0x33: {  	s18 =	smov.u32 s21;
	[sflag:s12] =	ssyncset.done $0x0  }
0x34: {  	s18 =	sadd.s32 s17, s10;
	[sflag:s12] =	ssyncadd.s32 $0xFFFFC000  }
0x35: {  	[tilespmem:s3], [sflag:$0x2] =	stream.linear.gather [hbm4b:s18+s3], $0x80, $0x38;
	[tilespmem:$0x17D00] =	vst v63  }
0x36: {  	_ =	swait.ge [sflag:s12], $0x80  }
0x37: {  	[sflag:s12] =	ssyncset.done $0x0  }
0x38: {  	s31 =	sadd.s32 s17, s9;
	[sflag:s12] =	ssyncadd.s32 $0xFFFFFF80  }
0x39: {  	[tilespmem:s13], [sflag:$0x2] =	stream.linear.gather [hbm4b:s31+s3], $0x80, $0x38;
	[tilespmem:$0x17D00] =	vst v63  }
0x3a: {  	_ =	swait.ge [sflag:s12], $0x80  }
0x3b: {  	[sflag:s12] =	ssyncset.done $0x0  }
0x3c: {  	[sflag:s12] =	ssyncadd.s32 $0xFFFFFF80  }
0x3d: {  	[tilespmem:s14], [sflag:$0x1] =	stream.indirect.gather [hbm4b:s4+s13], $0x80, s3, s13, $0xb8;
	[tilespmem:$0x17D00] =	vst v63  }
0x3e: {  	_ =	swait.ge [sflag:s15], $0x4000  }
0x3f: {  	[sflag:s15] =	ssyncset.done $0x0  }
0x40: {  	[sflag:s15] =	ssyncadd.s32 $0xFFFFC000  }
0x41: {  	[spmem:s1] =	stream.indirect.scatter.add.f32 [tilespmem:s14], [sflag:$0x2], $0x80, s13, s13, $0xb8;
	[tilespmem:$0x17D00] =	vst v63  }
0x42: {  	_ =	swait.ge [sflag:s12], $0x4000  }
0x43: {  	s16 =	sadd.s32 $0x1, s16;
	[sflag:s12] =	ssyncset.done $0x0  }
0x44: {  	p0 =	sne.s32 s16, s8;
	[sflag:s12] =	ssyncadd.s32 $0xFFFFC000  }
.Ltmp1:
0x45: {  	[bflag:$0x0] =	sbarrier.arrive $0xFFFF;
	(pc) =	sbr.rel @p0 .LBB2_1-.Ltmp1, $4  }
0x46: {  	[hbm:s7], [sflag:s6] =	dma.local [spmem:s11], $0x2780  }
0x47: {  	_ =	swait.ge [sflag:s12], $0x2780  }
0x48: {  	[sflag:s12] =	ssyncset.done $0x0  }
0x49: {  	[sflag:s12] =	ssyncadd.s32 $0xFFFFD880  }
0x4a: {  	_ =	sfence.sel $0x180000  }
0x4b: {  	[bflag:$0x0] =	sbarrier.arrive $0xFFFF  }
0x4c: {  	p0 =	sne.s32 s2, $0x0;
	_ =	strace $0x90000050  }
0x4d: {  	s0 =	sadd.s32 @!p0 $0x100000, s0;
	[bflag:$0x2] =	sbarrier.arrive $0xFFFF  }
0x4e: {  	[sflag:s0] =	ssyncadd.tile.s32 @!p0 $0x1;
	_ =	shalt  }
.Lfunc_end2:
_tile_overlayer_lowered:
.L_overlay_start_2:
0x4f: {  	(tag) =	ssettag $0x2  }
0x50: {  	s0 =	rddreg [dreg:$0x0];
	s2 =	stileid.u32  }
0x51: {  	s1 =	rddreg [dreg:$0x1];
	p0 =	sne.s32 s2, $0x0  }
0x52: {  	s3 =	rddreg [dreg:$0x2];
	[bflag:$0x3] =	sbarrier.arrive $0xFFFF;
	s2 =	simm.s32 @!p0 $0x1C02  }
0x53: {  	[timem:s3], [sflag:s2] =	dma.local @!p0 [hbm:s0], s1  }
0x54: {  	s0 =	simm.s32 @!p0 $0x2  }
0x55: {  	_ =	swait.ge @!p0 [sflag:s0], s1  }
0x56: {  	s1 =	ssub.s32 @!p0 $0x0, s1;
	[sflag:s0] =	ssyncset.done @!p0 $0x0  }
0x57: {  	[sflag:s0] =	ssyncadd.s32 @!p0 s1  }
0x58: {  	[bflag:$0x3] =	sbarrier.arrive $0xFFFF  }
0x59: {  	_ =	shalt  }

</sc_bundles>
